<compile_context>
chip_gen: v7x
topology: tpu7x:2x2x1
jax: 0.10.2.dev20260603
libtpu: 0.0.44.dev20260713+nightly
codegen_flags: <defaults>
</compile_context>

<pallas_src>
import functools

import jax
import jax.numpy as jnp
from jax import lax
from jax.experimental import pallas as pl
from jax.experimental.pallas import tpu as pltpu
from jax.experimental.pallas import tpu_sc as plsc

NC = 2
NS = 16
NW = NC * NS
K = 128

N_PAD = 10240
ROWS_PER_SUB = N_PAD // NS


def _sc_mesh():
    return plsc.VectorSubcoreMesh(
        core_axis_name="c", subcore_axis_name="s",
        num_cores=NC, num_subcores=NS)


def _make_deg_kernel(ch, ch0, ch1):
    @functools.partial(
        pl.kernel,
        out_type=jax.ShapeDtypeStruct((NC, N_PAD), jnp.float32),
        mesh=_sc_mesh(),
        scratch_types=[
            pltpu.VMEM((ch, K), jnp.int32),
            pltpu.VMEM((K,), jnp.float32),
            pltpu.VMEM_SHARED((N_PAD,), jnp.float32),
        ],
    )
    def deg_kernel(dst_hbm, zeros_hbm, out_hbm, dst_v, ones_v, deg_sh):
        c = lax.axis_index("c")
        s = lax.axis_index("s")
        wid = s * NC + c
        pltpu.sync_copy(dst_hbm.at[wid], dst_v)
        for i in range(K // 16):
            ones_v[pl.ds(i * 16, 16)] = jnp.ones((16,), jnp.float32)
        pltpu.sync_copy(zeros_hbm.at[pl.ds(0, ROWS_PER_SUB)],
                        deg_sh.at[pl.ds(s * ROWS_PER_SUB, ROWS_PER_SUB)])
        plsc.subcore_barrier()

        def body(j, carry):
            pltpu.sync_copy(ones_v, deg_sh.at[dst_v.at[j]], add=True)
            return carry

        lax.fori_loop(0, jnp.where(c == 0, ch0, ch1), body, 0)
        plsc.subcore_barrier()
        pltpu.sync_copy(deg_sh.at[pl.ds(s * ROWS_PER_SUB, ROWS_PER_SUB)],
                        out_hbm.at[c, pl.ds(s * ROWS_PER_SUB, ROWS_PER_SUB)])

    return deg_kernel


def _make_agg_kernel(ch, ch0, ch1, d):
    @functools.partial(
        pl.kernel,
        out_type=jax.ShapeDtypeStruct((NC, N_PAD, d), jnp.float32),
        mesh=_sc_mesh(),
        scratch_types=[
            pltpu.VMEM((ch, K), jnp.int32),
            pltpu.VMEM((ch, K), jnp.int32),
            pltpu.VMEM((K, d), jnp.float32),
            pltpu.VMEM_SHARED((N_PAD, d), jnp.float32),
        ],
    )
    def agg_kernel(y_hbm, src_hbm, dst_hbm, zeros_hbm, out_hbm,
                   src_v, dst_v, buf, z_sh):
        c = lax.axis_index("c")
        s = lax.axis_index("s")
        wid = s * NC + c
        pltpu.sync_copy(src_hbm.at[wid], src_v)
        pltpu.sync_copy(dst_hbm.at[wid], dst_v)
        pltpu.sync_copy(zeros_hbm,
                        z_sh.at[pl.ds(s * ROWS_PER_SUB, ROWS_PER_SUB)])
        plsc.subcore_barrier()

        def body(j, carry):
            pltpu.sync_copy(y_hbm.at[src_v.at[j]], buf)
            pltpu.sync_copy(buf, z_sh.at[dst_v.at[j]], add=True)
            return carry

        lax.fori_loop(0, jnp.where(c == 0, ch0, ch1), body, 0)
        plsc.subcore_barrier()
        pltpu.sync_copy(z_sh.at[pl.ds(s * ROWS_PER_SUB, ROWS_PER_SUB)],
                        out_hbm.at[c, pl.ds(s * ROWS_PER_SUB, ROWS_PER_SUB)])

    return agg_kernel


def _dinv_from_parts(deg_parts_blk):
    deg = deg_parts_blk[:, 0] + deg_parts_blk[:, 1] + 1.0
    return lax.rsqrt(deg)


def _tc1_body(x_ref, w_ref, degp_ref, y_ref):
    dinv = _dinv_from_parts(degp_ref[...])
    h = jnp.dot(x_ref[...], w_ref[...], preferred_element_type=jnp.float32)
    y_ref[...] = h * dinv[:, None]


def _tc2_body(z_ref, y1_ref, degp_ref, b1_ref, w_ref, y2_ref):
    dinv = _dinv_from_parts(degp_ref[...])
    z = z_ref[0] + z_ref[1] + y1_ref[...]
    h = jax.nn.relu(z * dinv[:, None] + b1_ref[...])
    h2 = jnp.dot(h, w_ref[...], preferred_element_type=jnp.float32)
    y2_ref[...] = h2 * dinv[:, None]


def _tc3_body(z_ref, y2_ref, degp_ref, b_ref, out_ref):
    dinv = _dinv_from_parts(degp_ref[...])
    z = z_ref[0] + z_ref[1] + y2_ref[...]
    out_ref[...] = z * dinv[:, None] + b_ref[...]


def kernel(x, edge_index, W1, b1, Wmu, bmu, Wlv, blv):
    n, d_in = x.shape
    d_hid = W1.shape[1]
    d_lat = Wmu.shape[1]
    e = edge_index.shape[1]
    d_out2 = 2 * d_lat

    e0 = (e * 2) // 3
    m0 = -(-e0 // NS)
    m1 = -(-(e - e0) // NS)
    ch0 = -(-m0 // K)
    ch1 = -(-m1 // K)
    ch = max(ch0, ch1)

    def _dummy_rows(m):
        return n + (jnp.arange(m, dtype=jnp.int32) % (N_PAD - n))

    def _part(row, fill_fn):
        def side(seg):
            m = -(-seg.shape[0] // NS)
            s1 = jnp.concatenate(
                [seg, fill_fn(NS * m - seg.shape[0])]).reshape(NS, m)
            s2 = fill_fn(NS * (ch * K - m)).reshape(NS, ch * K - m)
            return jnp.concatenate([s1, s2], axis=1).reshape(NS, ch, K)

        a = side(row[:e0])
        b = side(row[e0:])
        return jnp.stack([a, b], axis=1).reshape(NW, ch, K)

    src_r = _part(edge_index[0], lambda m: jnp.zeros((m,), jnp.int32))
    dst_r = _part(edge_index[1], _dummy_rows)

    zeros1 = jnp.zeros((ROWS_PER_SUB,), jnp.float32)
    zeros2 = jnp.zeros((ROWS_PER_SUB, d_hid), jnp.float32)

    Wcat = jnp.concatenate([Wmu, Wlv], axis=1)
    bcat = jnp.concatenate([bmu, blv]).reshape(1, d_out2)
    b1r = b1.reshape(1, d_hid)

    deg_parts = _make_deg_kernel(ch, ch0, ch1)(dst_r, zeros1).T

    BR = 1000
    g = n // BR
    row_spec = lambda d: pl.BlockSpec((BR, d), lambda i: (i, 0))
    part_spec = pl.BlockSpec((BR, NC), lambda i: (i, 0))
    zpart_spec = lambda d: pl.BlockSpec((NC, BR, d), lambda i: (0, i, 0))
    full_spec = lambda r, d: pl.BlockSpec((r, d), lambda i: (0, 0))

    y1 = pl.pallas_call(
        _tc1_body,
        grid=(g,),
        in_specs=[row_spec(d_in), full_spec(d_in, d_hid), part_spec],
        out_specs=row_spec(d_hid),
        out_shape=jax.ShapeDtypeStruct((n, d_hid), jnp.float32),
    )(x, W1, deg_parts)

    assert d_out2 == d_hid
    agg = _make_agg_kernel(ch, ch0, ch1, d_hid)
    z1_parts = agg(y1, src_r, dst_r, zeros2)

    y2 = pl.pallas_call(
        _tc2_body,
        grid=(g,),
        in_specs=[zpart_spec(d_hid), row_spec(d_hid), part_spec,
                  full_spec(1, d_hid), full_spec(d_hid, d_out2)],
        out_specs=row_spec(d_out2),
        out_shape=jax.ShapeDtypeStruct((n, d_out2), jnp.float32),
    )(z1_parts, y1, deg_parts, b1r, Wcat)

    z2_parts = agg(y2, src_r, dst_r, zeros2)

    out = pl.pallas_call(
        _tc3_body,
        grid=(g,),
        in_specs=[zpart_spec(d_out2), row_spec(d_out2), part_spec,
                  full_spec(1, d_out2)],
        out_specs=row_spec(d_out2),
        out_shape=jax.ShapeDtypeStruct((n, d_out2), jnp.float32),
    )(z2_parts, y2, deg_parts, bcat)

    return (out[:, :d_lat], out[:, d_lat:])

# --- scband reference (transcript-rebuilt; emitter-appended) ---
"""Pipeline reference for scband-gcnencoder-65704409694423 (READ-ONLY COPY).

The authoritative reference and input builder live on the scoring server;
editing this copy changes nothing except your own understanding.
"""

import jax, jax.numpy as jnp
import numpy as np


def gcn_conv(x, edge_index, W, b):
    # PyG-style GCNConv: add self-loops, symmetric normalization, linear, aggregate at dst
    n = x.shape[0]
    loop = jnp.arange(n, dtype=edge_index.dtype)
    src = jnp.concatenate([edge_index[0], loop])
    dst = jnp.concatenate([edge_index[1], loop])
    deg = jnp.zeros((n,), dtype=x.dtype).at[dst].add(1.0)
    dinv = jnp.where(deg > 0, deg ** -0.5, 0.0)
    norm = dinv[src] * dinv[dst]
    h = x @ W
    msg = h[src] * norm[:, None]
    out = jnp.zeros((n, W.shape[1]), dtype=x.dtype).at[dst].add(msg)
    return out + b


def setup_inputs(seed: int = 0):
    key = jax.random.key(seed)
    ks = jax.random.split(key, 8)
    n, d_in, d_hid, d_lat = 10000, 128, 128, 64
    e = 320000
    x = jax.random.normal(ks[0], (n, d_in), dtype=jnp.float32)
    edge_index = jax.random.randint(ks[1], (2, e), 0, n, dtype=jnp.int32)
    W1 = jax.random.normal(ks[2], (d_in, d_hid), dtype=jnp.float32) * (1.0 / np.sqrt(d_in))
    b1 = jnp.zeros((d_hid,), dtype=jnp.float32)
    Wmu = jax.random.normal(ks[3], (d_hid, d_lat), dtype=jnp.float32) * (1.0 / np.sqrt(d_hid))
    bmu = jnp.zeros((d_lat,), dtype=jnp.float32)
    Wlv = jax.random.normal(ks[4], (d_hid, d_lat), dtype=jnp.float32) * (1.0 / np.sqrt(d_hid))
    blv = jnp.zeros((d_lat,), dtype=jnp.float32)
    return {"x": x, "edge_index": edge_index, "W1": W1, "b1": b1,
            "Wmu": Wmu, "bmu": bmu, "Wlv": Wlv, "blv": blv}


def reference(x, edge_index, W1, b1, Wmu, bmu, Wlv, blv):
    h = jax.nn.relu(gcn_conv(x, edge_index, W1, b1))
    mu = gcn_conv(h, edge_index, Wmu, bmu)
    logvar = gcn_conv(h, edge_index, Wlv, blv)
    return (mu, logvar)

if __name__ == "__main__":
    import jax
    _d = setup_inputs()
    print(jax.jit(kernel)(*tuple(_d.values())))

</pallas_src>

<mosaic_0001>
#map = affine_map<(d0, d1) -> (0, 0, 0)>
#map1 = affine_map<(d0, d1) -> (0)>
#map2 = affine_map<(d0, d1) -> (0, 0)>
module attributes {stable_mosaic.version = 14 : i64} {
  func.func @deg_kernel(%arg0: i32, %arg1: i32, %arg2: memref<32x105x128xi32, #tpu.memory_space<hbm>>, %arg3: memref<640xf32, #tpu.memory_space<hbm>>, %arg4: memref<2x10240xf32, #tpu.memory_space<hbm>>, %arg5: memref<105x128xi32, #tpu.memory_space<vmem>>, %arg6: memref<128xf32, #tpu.memory_space<vmem>>, %arg7: memref<10240xf32, #tpu.memory_space<vmem_shared>>) attributes {dimension_semantics = [#tpu.dimension_semantics<core_parallel>, #tpu.dimension_semantics<subcore_parallel>], iteration_bounds = array<i64: 2, 16>, scalar_prefetch = 0 : i64, scratch_operands = 3 : i64, tpu.core_type = #tpu.core_type<sc_vector_subcore>, window_params = [{transform_indices = #map}, {transform_indices = #map1}, {transform_indices = #map2}]} {
    %mul3A = arith.constant 2 : i32
    %mul3A_0 = arith.muli %arg1, %mul3A : i32
    %add3A = arith.addi %mul3A_0, %arg0 : i32
    "tpu.region"() ({
      %run_scoped3A = tpu.sem_alloc : memref<!tpu.dma_semaphore, #tpu.memory_space<semaphore_mem>>
      %dma_start3A = arith.constant 0 : i32
      %dma_start3A_65 = arith.constant 0 : i32
      %dma_start3A_66 = tpu.memref_slice %arg2[%add3A, %dma_start3A, %dma_start3A_65] : memref<32x105x128xi32, #tpu.memory_space<hbm>> -> memref<1x105x128xi32, #tpu.memory_space<hbm>>
      %dma_start3A_67 = tpu.memref_squeeze %dma_start3A_66 : memref<1x105x128xi32, #tpu.memory_space<hbm>> -> memref<105x128xi32, #tpu.memory_space<hbm>>
      %dma_start3A_68 = arith.constant 0 : i32
      %dma_start3A_69 = arith.constant 0 : i32
      %dma_start3A_70 = tpu.memref_slice %arg2[%add3A, %dma_start3A_68, %dma_start3A_69] : memref<32x105x128xi32, #tpu.memory_space<hbm>> -> memref<1x105x128xi32, #tpu.memory_space<hbm>>
      %dma_start3A_71 = tpu.memref_squeeze %dma_start3A_70 : memref<1x105x128xi32, #tpu.memory_space<hbm>> -> memref<105x128xi32, #tpu.memory_space<hbm>>
      tpu.enqueue_dma source(%dma_start3A_71 : memref<105x128xi32, #tpu.memory_space<hbm>>) target(%arg5 : memref<105x128xi32, #tpu.memory_space<vmem>>) target_semaphore(%run_scoped3A : memref<!tpu.dma_semaphore, #tpu.memory_space<semaphore_mem>>)
      %dma_wait3A = arith.constant 0 : i32
      %dma_wait3A_72 = arith.constant 0 : i32
      %dma_wait3A_73 = tpu.memref_slice %arg2[%add3A, %dma_wait3A, %dma_wait3A_72] : memref<32x105x128xi32, #tpu.memory_space<hbm>> -> memref<1x105x128xi32, #tpu.memory_space<hbm>>
      %dma_wait3A_74 = tpu.memref_squeeze %dma_wait3A_73 : memref<1x105x128xi32, #tpu.memory_space<hbm>> -> memref<105x128xi32, #tpu.memory_space<hbm>>
      %dma_wait3A_75 = arith.constant 0 : i32
      %dma_wait3A_76 = arith.constant 0 : i32
      %dma_wait3A_77 = tpu.memref_slice %arg2[%add3A, %dma_wait3A_75, %dma_wait3A_76] : memref<32x105x128xi32, #tpu.memory_space<hbm>> -> memref<1x105x128xi32, #tpu.memory_space<hbm>>
      %dma_wait3A_78 = tpu.memref_squeeze %dma_wait3A_77 : memref<1x105x128xi32, #tpu.memory_space<hbm>> -> memref<105x128xi32, #tpu.memory_space<hbm>>
      tpu.wait_dma2 semaphore(%run_scoped3A : memref<!tpu.dma_semaphore, #tpu.memory_space<semaphore_mem>>) src(%dma_wait3A_78 : memref<105x128xi32, #tpu.memory_space<hbm>>) dst(%arg5 : memref<105x128xi32, #tpu.memory_space<vmem>>)
      tpu.yield
    }) : () -> ()
    %broadcast_in_dim3A = arith.constant 1.000000e+00 : f32
    %broadcast_in_dim3A_1 = vector.broadcast %broadcast_in_dim3A : f32 to vector<16xf32>
    %swap3A = arith.constant 0 : index
    %swap3A_2 = tpu.vector_load %arg6[%swap3A] {strides = array<i32>} : memref<128xf32, #tpu.memory_space<vmem>>, vector<16xf32>,
    %swap3A_3 = vector.shape_cast %swap3A_2 : vector<16xf32> to vector<16xf32>
    %swap3A_4 = vector.shape_cast %broadcast_in_dim3A_1 : vector<16xf32> to vector<16xf32>
    tpu.vector_store %arg6[%swap3A], %swap3A_4 {strides = array<i32>} : memref<128xf32, #tpu.memory_space<vmem>>, vector<16xf32>,
    %broadcast_in_dim3A_5 = arith.constant 1.000000e+00 : f32
    %broadcast_in_dim3A_6 = vector.broadcast %broadcast_in_dim3A_5 : f32 to vector<16xf32>
    %swap3A_7 = arith.constant 16 : index
    %swap3A_8 = tpu.vector_load %arg6[%swap3A_7] {strides = array<i32>} : memref<128xf32, #tpu.memory_space<vmem>>, vector<16xf32>,
    %swap3A_9 = vector.shape_cast %swap3A_8 : vector<16xf32> to vector<16xf32>
    %swap3A_10 = vector.shape_cast %broadcast_in_dim3A_6 : vector<16xf32> to vector<16xf32>
    tpu.vector_store %arg6[%swap3A_7], %swap3A_10 {strides = array<i32>} : memref<128xf32, #tpu.memory_space<vmem>>, vector<16xf32>,
    %broadcast_in_dim3A_11 = arith.constant 1.000000e+00 : f32
    %broadcast_in_dim3A_12 = vector.broadcast %broadcast_in_dim3A_11 : f32 to vector<16xf32>
    %swap3A_13 = arith.constant 32 : index
    %swap3A_14 = tpu.vector_load %arg6[%swap3A_13] {strides = array<i32>} : memref<128xf32, #tpu.memory_space<vmem>>, vector<16xf32>,
    %swap3A_15 = vector.shape_cast %swap3A_14 : vector<16xf32> to vector<16xf32>
    %swap3A_16 = vector.shape_cast %broadcast_in_dim3A_12 : vector<16xf32> to vector<16xf32>
    tpu.vector_store %arg6[%swap3A_13], %swap3A_16 {strides = array<i32>} : memref<128xf32, #tpu.memory_space<vmem>>, vector<16xf32>,
    %broadcast_in_dim3A_17 = arith.constant 1.000000e+00 : f32
    %broadcast_in_dim3A_18 = vector.broadcast %broadcast_in_dim3A_17 : f32 to vector<16xf32>
    %swap3A_19 = arith.constant 48 : index
    %swap3A_20 = tpu.vector_load %arg6[%swap3A_19] {strides = array<i32>} : memref<128xf32, #tpu.memory_space<vmem>>, vector<16xf32>,
    %swap3A_21 = vector.shape_cast %swap3A_20 : vector<16xf32> to vector<16xf32>
    %swap3A_22 = vector.shape_cast %broadcast_in_dim3A_18 : vector<16xf32> to vector<16xf32>
    tpu.vector_store %arg6[%swap3A_19], %swap3A_22 {strides = array<i32>} : memref<128xf32, #tpu.memory_space<vmem>>, vector<16xf32>,
    %broadcast_in_dim3A_23 = arith.constant 1.000000e+00 : f32
    %broadcast_in_dim3A_24 = vector.broadcast %broadcast_in_dim3A_23 : f32 to vector<16xf32>
    %swap3A_25 = arith.constant 64 : index
    %swap3A_26 = tpu.vector_load %arg6[%swap3A_25] {strides = array<i32>} : memref<128xf32, #tpu.memory_space<vmem>>, vector<16xf32>,
    %swap3A_27 = vector.shape_cast %swap3A_26 : vector<16xf32> to vector<16xf32>
    %swap3A_28 = vector.shape_cast %broadcast_in_dim3A_24 : vector<16xf32> to vector<16xf32>
    tpu.vector_store %arg6[%swap3A_25], %swap3A_28 {strides = array<i32>} : memref<128xf32, #tpu.memory_space<vmem>>, vector<16xf32>,
    %broadcast_in_dim3A_29 = arith.constant 1.000000e+00 : f32
    %broadcast_in_dim3A_30 = vector.broadcast %broadcast_in_dim3A_29 : f32 to vector<16xf32>
    %swap3A_31 = arith.constant 80 : index
    %swap3A_32 = tpu.vector_load %arg6[%swap3A_31] {strides = array<i32>} : memref<128xf32, #tpu.memory_space<vmem>>, vector<16xf32>,
    %swap3A_33 = vector.shape_cast %swap3A_32 : vector<16xf32> to vector<16xf32>
    %swap3A_34 = vector.shape_cast %broadcast_in_dim3A_30 : vector<16xf32> to vector<16xf32>
    tpu.vector_store %arg6[%swap3A_31], %swap3A_34 {strides = array<i32>} : memref<128xf32, #tpu.memory_space<vmem>>, vector<16xf32>,
    %broadcast_in_dim3A_35 = arith.constant 1.000000e+00 : f32
    %broadcast_in_dim3A_36 = vector.broadcast %broadcast_in_dim3A_35 : f32 to vector<16xf32>
    %swap3A_37 = arith.constant 96 : index
    %swap3A_38 = tpu.vector_load %arg6[%swap3A_37] {strides = array<i32>} : memref<128xf32, #tpu.memory_space<vmem>>, vector<16xf32>,
    %swap3A_39 = vector.shape_cast %swap3A_38 : vector<16xf32> to vector<16xf32>
    %swap3A_40 = vector.shape_cast %broadcast_in_dim3A_36 : vector<16xf32> to vector<16xf32>
    tpu.vector_store %arg6[%swap3A_37], %swap3A_40 {strides = array<i32>} : memref<128xf32, #tpu.memory_space<vmem>>, vector<16xf32>,
    %broadcast_in_dim3A_41 = arith.constant 1.000000e+00 : f32
    %broadcast_in_dim3A_42 = vector.broadcast %broadcast_in_dim3A_41 : f32 to vector<16xf32>
    %swap3A_43 = arith.constant 112 : index
    %swap3A_44 = tpu.vector_load %arg6[%swap3A_43] {strides = array<i32>} : memref<128xf32, #tpu.memory_space<vmem>>, vector<16xf32>,
    %swap3A_45 = vector.shape_cast %swap3A_44 : vector<16xf32> to vector<16xf32>
    %swap3A_46 = vector.shape_cast %broadcast_in_dim3A_42 : vector<16xf32> to vector<16xf32>
    tpu.vector_store %arg6[%swap3A_43], %swap3A_46 {strides = array<i32>} : memref<128xf32, #tpu.memory_space<vmem>>, vector<16xf32>,
    %mul3A_47 = arith.constant 640 : i32
    %mul3A_48 = arith.muli %arg1, %mul3A_47 : i32
    "tpu.region"() ({
      %run_scoped3A = tpu.sem_alloc : memref<!tpu.dma_semaphore, #tpu.memory_space<semaphore_mem>>
      %dma_start3A = tpu.memref_slice %arg7[%mul3A_48] : memref<10240xf32, #tpu.memory_space<vmem_shared>> -> memref<640xf32, #tpu.memory_space<vmem_shared>>
      %dma_start3A_65 = arith.constant 0 : i32
      %dma_start3A_66 = tpu.memref_slice %arg3[%dma_start3A_65] : memref<640xf32, #tpu.memory_space<hbm>> -> memref<640xf32, #tpu.memory_space<hbm>>
      tpu.enqueue_dma source(%dma_start3A_66 : memref<640xf32, #tpu.memory_space<hbm>>) target(%dma_start3A : memref<640xf32, #tpu.memory_space<vmem_shared>>) target_semaphore(%run_scoped3A : memref<!tpu.dma_semaphore, #tpu.memory_space<semaphore_mem>>)
      %dma_wait3A = tpu.memref_slice %arg7[%mul3A_48] : memref<10240xf32, #tpu.memory_space<vmem_shared>> -> memref<640xf32, #tpu.memory_space<vmem_shared>>
      %dma_wait3A_67 = arith.constant 0 : i32
      %dma_wait3A_68 = tpu.memref_slice %arg3[%dma_wait3A_67] : memref<640xf32, #tpu.memory_space<hbm>> -> memref<640xf32, #tpu.memory_space<hbm>>
      tpu.wait_dma2 semaphore(%run_scoped3A : memref<!tpu.dma_semaphore, #tpu.memory_space<semaphore_mem>>) src(%dma_wait3A_68 : memref<640xf32, #tpu.memory_space<hbm>>) dst(%dma_wait3A : memref<640xf32, #tpu.memory_space<vmem_shared>>)
      tpu.yield
    }) : () -> ()
    %barrier3A = arith.constant 0 : index
    tpu.barrier barrier_id(%barrier3A)
    %eq3A = arith.constant 0 : i32
    %eq3A_49 = arith.cmpi eq, %arg0, %eq3A : i32
    %jit3A = arith.constant 105 : i32
    %jit3A_50 = arith.constant 53 : i32
    %select_n3A = arith.select %eq3A_49, %jit3A, %jit3A_50 : i32
    %while3A = arith.constant 0 : i32
    %while3A_51 = arith.constant 0 : i32
    %while3A_52 = arith.subi %select_n3A, %while3A_51 : i32
    %while3A_53 = arith.addi %while3A_51, %while3A_52 : i32
    %while3A_54 = arith.constant 1 : i32
    %while3A_55 = arith.divsi %while3A_52, %while3A_54 : i32
    %while3A_56 = arith.muli %while3A_55, %while3A_54 : i32
    %while3A_57 = arith.addi %while3A_51, %while3A_56 : i32
    %while3A_58 = arith.constant 1 : i32
    scf.for %while3A_65 = %while3A_51 to %while3A_57 step %while3A_58  : i32 {
      "tpu.region"() ({
        %run_scoped3A = tpu.sem_alloc : memref<!tpu.dma_semaphore, #tpu.memory_space<semaphore_mem>>
        %dma_start3A = arith.constant 0 : i32
        %dma_start3A_66 = tpu.memref_slice %arg5[%while3A_65, %dma_start3A] : memref<105x128xi32, #tpu.memory_space<vmem>> -> memref<1x128xi32, #tpu.memory_space<vmem>>
        %dma_start3A_67 = tpu.memref_squeeze %dma_start3A_66 : memref<1x128xi32, #tpu.memory_space<vmem>> -> memref<128xi32, #tpu.memory_space<vmem>>
        %dma_start3A_68 = arith.constant 0 : i32
        %dma_start3A_69 = tpu.memref_slice %arg7[%dma_start3A_68] : memref<10240xf32, #tpu.memory_space<vmem_shared>> -> memref<10240xf32, #tpu.memory_space<vmem_shared>>
        tpu.enqueue_indirect_dma source(%arg6 : memref<128xf32, #tpu.memory_space<vmem>>) target(%dma_start3A_69 : memref<10240xf32, #tpu.memory_space<vmem_shared>>) offsets(%dma_start3A_67 : memref<128xi32, #tpu.memory_space<vmem>>) semaphore(%run_scoped3A : memref<!tpu.dma_semaphore, #tpu.memory_space<semaphore_mem>>) {add = true}
        %dma_wait3A = arith.constant 0 : i32
        %dma_wait3A_70 = tpu.memref_slice %arg5[%while3A_65, %dma_wait3A] : memref<105x128xi32, #tpu.memory_space<vmem>> -> memref<1x128xi32, #tpu.memory_space<vmem>>
        %dma_wait3A_71 = tpu.memref_squeeze %dma_wait3A_70 : memref<1x128xi32, #tpu.memory_space<vmem>> -> memref<128xi32, #tpu.memory_space<vmem>>
        %dma_wait3A_72 = arith.constant 0 : i32
        %dma_wait3A_73 = tpu.memref_slice %arg7[%dma_wait3A_72] : memref<10240xf32, #tpu.memory_space<vmem_shared>> -> memref<10240xf32, #tpu.memory_space<vmem_shared>>
        tpu.wait_indirect_dma semaphore(%run_scoped3A : memref<!tpu.dma_semaphore, #tpu.memory_space<semaphore_mem>>) src(%arg6 : memref<128xf32, #tpu.memory_space<vmem>>) dst(%dma_wait3A_73 : memref<10240xf32, #tpu.memory_space<vmem_shared>>)
        tpu.yield
      }) : () -> ()
    }
    %while3A_59 = arith.constant 1 : i32
    scf.for %while3A_65 = %while3A_57 to %while3A_53 step %while3A_59  : i32 {
      "tpu.region"() ({
        %run_scoped3A = tpu.sem_alloc : memref<!tpu.dma_semaphore, #tpu.memory_space<semaphore_mem>>
        %dma_start3A = arith.constant 0 : i32
        %dma_start3A_66 = tpu.memref_slice %arg5[%while3A_65, %dma_start3A] : memref<105x128xi32, #tpu.memory_space<vmem>> -> memref<1x128xi32, #tpu.memory_space<vmem>>
        %dma_start3A_67 = tpu.memref_squeeze %dma_start3A_66 : memref<1x128xi32, #tpu.memory_space<vmem>> -> memref<128xi32, #tpu.memory_space<vmem>>
        %dma_start3A_68 = arith.constant 0 : i32
        %dma_start3A_69 = tpu.memref_slice %arg7[%dma_start3A_68] : memref<10240xf32, #tpu.memory_space<vmem_shared>> -> memref<10240xf32, #tpu.memory_space<vmem_shared>>
        tpu.enqueue_indirect_dma source(%arg6 : memref<128xf32, #tpu.memory_space<vmem>>) target(%dma_start3A_69 : memref<10240xf32, #tpu.memory_space<vmem_shared>>) offsets(%dma_start3A_67 : memref<128xi32, #tpu.memory_space<vmem>>) semaphore(%run_scoped3A : memref<!tpu.dma_semaphore, #tpu.memory_space<semaphore_mem>>) {add = true}
        %dma_wait3A = arith.constant 0 : i32
        %dma_wait3A_70 = tpu.memref_slice %arg5[%while3A_65, %dma_wait3A] : memref<105x128xi32, #tpu.memory_space<vmem>> -> memref<1x128xi32, #tpu.memory_space<vmem>>
        %dma_wait3A_71 = tpu.memref_squeeze %dma_wait3A_70 : memref<1x128xi32, #tpu.memory_space<vmem>> -> memref<128xi32, #tpu.memory_space<vmem>>
        %dma_wait3A_72 = arith.constant 0 : i32
        %dma_wait3A_73 = tpu.memref_slice %arg7[%dma_wait3A_72] : memref<10240xf32, #tpu.memory_space<vmem_shared>> -> memref<10240xf32, #tpu.memory_space<vmem_shared>>
        tpu.wait_indirect_dma semaphore(%run_scoped3A : memref<!tpu.dma_semaphore, #tpu.memory_space<semaphore_mem>>) src(%arg6 : memref<128xf32, #tpu.memory_space<vmem>>) dst(%dma_wait3A_73 : memref<10240xf32, #tpu.memory_space<vmem_shared>>)
        tpu.yield
      }) : () -> ()
    }
    %barrier3A_60 = arith.constant 0 : index
    tpu.barrier barrier_id(%barrier3A_60)
    %mul3A_61 = arith.constant 640 : i32
    %mul3A_62 = arith.muli %arg1, %mul3A_61 : i32
    %mul3A_63 = arith.constant 640 : i32
    %mul3A_64 = arith.muli %arg1, %mul3A_63 : i32
    "tpu.region"() ({
      %run_scoped3A = tpu.sem_alloc : memref<!tpu.dma_semaphore, #tpu.memory_space<semaphore_mem>>
      %dma_start3A = tpu.memref_slice %arg4[%arg0, %mul3A_64] : memref<2x10240xf32, #tpu.memory_space<hbm>> -> memref<1x640xf32, #tpu.memory_space<hbm>>
      %dma_start3A_65 = tpu.memref_squeeze %dma_start3A : memref<1x640xf32, #tpu.memory_space<hbm>> -> memref<640xf32, #tpu.memory_space<hbm>>
      %dma_start3A_66 = tpu.memref_slice %arg7[%mul3A_62] : memref<10240xf32, #tpu.memory_space<vmem_shared>> -> memref<640xf32, #tpu.memory_space<vmem_shared>>
      tpu.enqueue_dma source(%dma_start3A_66 : memref<640xf32, #tpu.memory_space<vmem_shared>>) target(%dma_start3A_65 : memref<640xf32, #tpu.memory_space<hbm>>) target_semaphore(%run_scoped3A : memref<!tpu.dma_semaphore, #tpu.memory_space<semaphore_mem>>)
      %dma_wait3A = tpu.memref_slice %arg4[%arg0, %mul3A_64] : memref<2x10240xf32, #tpu.memory_space<hbm>> -> memref<1x640xf32, #tpu.memory_space<hbm>>
      %dma_wait3A_67 = tpu.memref_squeeze %dma_wait3A : memref<1x640xf32, #tpu.memory_space<hbm>> -> memref<640xf32, #tpu.memory_space<hbm>>
      %dma_wait3A_68 = tpu.memref_slice %arg7[%mul3A_62] : memref<10240xf32, #tpu.memory_space<vmem_shared>> -> memref<640xf32, #tpu.memory_space<vmem_shared>>
      tpu.wait_dma2 semaphore(%run_scoped3A : memref<!tpu.dma_semaphore, #tpu.memory_space<semaphore_mem>>) src(%dma_wait3A_68 : memref<640xf32, #tpu.memory_space<vmem_shared>>) dst(%dma_wait3A_67 : memref<640xf32, #tpu.memory_space<hbm>>)
      tpu.yield
    }) : () -> ()
    return
  }
}

#map = affine_map<(d0, d1) -> (0, 0)>
#map1 = affine_map<(d0, d1) -> (0, 0, 0)>
module attributes {stable_mosaic.version = 14 : i64} {
  func.func @agg_kernel(%arg0: i32, %arg1: i32, %arg2: memref<10000x128xf32, #tpu.memory_space<hbm>>, %arg3: memref<32x105x128xi32, #tpu.memory_space<hbm>>, %arg4: memref<32x105x128xi32, #tpu.memory_space<hbm>>, %arg5: memref<640x128xf32, #tpu.memory_space<hbm>>, %arg6: memref<2x10240x128xf32, #tpu.memory_space<hbm>>, %arg7: memref<105x128xi32, #tpu.memory_space<vmem>>, %arg8: memref<105x128xi32, #tpu.memory_space<vmem>>, %arg9: memref<128x128xf32, #tpu.memory_space<vmem>>, %arg10: memref<10240x128xf32, #tpu.memory_space<vmem_shared>>) attributes {dimension_semantics = [#tpu.dimension_semantics<core_parallel>, #tpu.dimension_semantics<subcore_parallel>], iteration_bounds = array<i64: 2, 16>, scalar_prefetch = 0 : i64, scratch_operands = 4 : i64, tpu.core_type = #tpu.core_type<sc_vector_subcore>, window_params = [{transform_indices = #map}, {transform_indices = #map1}, {transform_indices = #map1}, {transform_indices = #map}, {transform_indices = #map1}]} {
    %mul3A = arith.constant 2 : i32
    %mul3A_0 = arith.muli %arg1, %mul3A : i32
    %add3A = arith.addi %mul3A_0, %arg0 : i32
    "tpu.region"() ({
      %run_scoped3A = tpu.sem_alloc : memref<!tpu.dma_semaphore, #tpu.memory_space<semaphore_mem>>
      %dma_start3A = arith.constant 0 : i32
      %dma_start3A_19 = arith.constant 0 : i32
      %dma_start3A_20 = tpu.memref_slice %arg3[%add3A, %dma_start3A, %dma_start3A_19] : memref<32x105x128xi32, #tpu.memory_space<hbm>> -> memref<1x105x128xi32, #tpu.memory_space<hbm>>
      %dma_start3A_21 = tpu.memref_squeeze %dma_start3A_20 : memref<1x105x128xi32, #tpu.memory_space<hbm>> -> memref<105x128xi32, #tpu.memory_space<hbm>>
      %dma_start3A_22 = arith.constant 0 : i32
      %dma_start3A_23 = arith.constant 0 : i32
      %dma_start3A_24 = tpu.memref_slice %arg3[%add3A, %dma_start3A_22, %dma_start3A_23] : memref<32x105x128xi32, #tpu.memory_space<hbm>> -> memref<1x105x128xi32, #tpu.memory_space<hbm>>
      %dma_start3A_25 = tpu.memref_squeeze %dma_start3A_24 : memref<1x105x128xi32, #tpu.memory_space<hbm>> -> memref<105x128xi32, #tpu.memory_space<hbm>>
      tpu.enqueue_dma source(%dma_start3A_25 : memref<105x128xi32, #tpu.memory_space<hbm>>) target(%arg7 : memref<105x128xi32, #tpu.memory_space<vmem>>) target_semaphore(%run_scoped3A : memref<!tpu.dma_semaphore, #tpu.memory_space<semaphore_mem>>)
      %dma_wait3A = arith.constant 0 : i32
      %dma_wait3A_26 = arith.constant 0 : i32
      %dma_wait3A_27 = tpu.memref_slice %arg3[%add3A, %dma_wait3A, %dma_wait3A_26] : memref<32x105x128xi32, #tpu.memory_space<hbm>> -> memref<1x105x128xi32, #tpu.memory_space<hbm>>
      %dma_wait3A_28 = tpu.memref_squeeze %dma_wait3A_27 : memref<1x105x128xi32, #tpu.memory_space<hbm>> -> memref<105x128xi32, #tpu.memory_space<hbm>>
      %dma_wait3A_29 = arith.constant 0 : i32
      %dma_wait3A_30 = arith.constant 0 : i32
      %dma_wait3A_31 = tpu.memref_slice %arg3[%add3A, %dma_wait3A_29, %dma_wait3A_30] : memref<32x105x128xi32, #tpu.memory_space<hbm>> -> memref<1x105x128xi32, #tpu.memory_space<hbm>>
      %dma_wait3A_32 = tpu.memref_squeeze %dma_wait3A_31 : memref<1x105x128xi32, #tpu.memory_space<hbm>> -> memref<105x128xi32, #tpu.memory_space<hbm>>
      tpu.wait_dma2 semaphore(%run_scoped3A : memref<!tpu.dma_semaphore, #tpu.memory_space<semaphore_mem>>) src(%dma_wait3A_32 : memref<105x128xi32, #tpu.memory_space<hbm>>) dst(%arg7 : memref<105x128xi32, #tpu.memory_space<vmem>>)
      tpu.yield
    }) : () -> ()
    "tpu.region"() ({
      %run_scoped3A = tpu.sem_alloc : memref<!tpu.dma_semaphore, #tpu.memory_space<semaphore_mem>>
      %dma_start3A = arith.constant 0 : i32
      %dma_start3A_19 = arith.constant 0 : i32
      %dma_start3A_20 = tpu.memref_slice %arg4[%add3A, %dma_start3A, %dma_start3A_19] : memref<32x105x128xi32, #tpu.memory_space<hbm>> -> memref<1x105x128xi32, #tpu.memory_space<hbm>>
      %dma_start3A_21 = tpu.memref_squeeze %dma_start3A_20 : memref<1x105x128xi32, #tpu.memory_space<hbm>> -> memref<105x128xi32, #tpu.memory_space<hbm>>
      %dma_start3A_22 = arith.constant 0 : i32
      %dma_start3A_23 = arith.constant 0 : i32
      %dma_start3A_24 = tpu.memref_slice %arg4[%add3A, %dma_start3A_22, %dma_start3A_23] : memref<32x105x128xi32, #tpu.memory_space<hbm>> -> memref<1x105x128xi32, #tpu.memory_space<hbm>>
      %dma_start3A_25 = tpu.memref_squeeze %dma_start3A_24 : memref<1x105x128xi32, #tpu.memory_space<hbm>> -> memref<105x128xi32, #tpu.memory_space<hbm>>
      tpu.enqueue_dma source(%dma_start3A_25 : memref<105x128xi32, #tpu.memory_space<hbm>>) target(%arg8 : memref<105x128xi32, #tpu.memory_space<vmem>>) target_semaphore(%run_scoped3A : memref<!tpu.dma_semaphore, #tpu.memory_space<semaphore_mem>>)
      %dma_wait3A = arith.constant 0 : i32
      %dma_wait3A_26 = arith.constant 0 : i32
      %dma_wait3A_27 = tpu.memref_slice %arg4[%add3A, %dma_wait3A, %dma_wait3A_26] : memref<32x105x128xi32, #tpu.memory_space<hbm>> -> memref<1x105x128xi32, #tpu.memory_space<hbm>>
      %dma_wait3A_28 = tpu.memref_squeeze %dma_wait3A_27 : memref<1x105x128xi32, #tpu.memory_space<hbm>> -> memref<105x128xi32, #tpu.memory_space<hbm>>
      %dma_wait3A_29 = arith.constant 0 : i32
      %dma_wait3A_30 = arith.constant 0 : i32
      %dma_wait3A_31 = tpu.memref_slice %arg4[%add3A, %dma_wait3A_29, %dma_wait3A_30] : memref<32x105x128xi32, #tpu.memory_space<hbm>> -> memref<1x105x128xi32, #tpu.memory_space<hbm>>
      %dma_wait3A_32 = tpu.memref_squeeze %dma_wait3A_31 : memref<1x105x128xi32, #tpu.memory_space<hbm>> -> memref<105x128xi32, #tpu.memory_space<hbm>>
      tpu.wait_dma2 semaphore(%run_scoped3A : memref<!tpu.dma_semaphore, #tpu.memory_space<semaphore_mem>>) src(%dma_wait3A_32 : memref<105x128xi32, #tpu.memory_space<hbm>>) dst(%arg8 : memref<105x128xi32, #tpu.memory_space<vmem>>)
      tpu.yield
    }) : () -> ()
    %mul3A_1 = arith.constant 640 : i32
    %mul3A_2 = arith.muli %arg1, %mul3A_1 : i32
    "tpu.region"() ({
      %run_scoped3A = tpu.sem_alloc : memref<!tpu.dma_semaphore, #tpu.memory_space<semaphore_mem>>
      %dma_start3A = arith.constant 0 : i32
      %dma_start3A_19 = tpu.memref_slice %arg10[%mul3A_2, %dma_start3A] : memref<10240x128xf32, #tpu.memory_space<vmem_shared>> -> memref<640x128xf32, #tpu.memory_space<vmem_shared>>
      tpu.enqueue_dma source(%arg5 : memref<640x128xf32, #tpu.memory_space<hbm>>) target(%dma_start3A_19 : memref<640x128xf32, #tpu.memory_space<vmem_shared>>) target_semaphore(%run_scoped3A : memref<!tpu.dma_semaphore, #tpu.memory_space<semaphore_mem>>)
      %dma_wait3A = arith.constant 0 : i32
      %dma_wait3A_20 = tpu.memref_slice %arg10[%mul3A_2, %dma_wait3A] : memref<10240x128xf32, #tpu.memory_space<vmem_shared>> -> memref<640x128xf32, #tpu.memory_space<vmem_shared>>
      tpu.wait_dma2 semaphore(%run_scoped3A : memref<!tpu.dma_semaphore, #tpu.memory_space<semaphore_mem>>) src(%arg5 : memref<640x128xf32, #tpu.memory_space<hbm>>) dst(%dma_wait3A_20 : memref<640x128xf32, #tpu.memory_space<vmem_shared>>)
      tpu.yield
    }) : () -> ()
    %barrier3A = arith.constant 0 : index
    tpu.barrier barrier_id(%barrier3A)
    %eq3A = arith.constant 0 : i32
    %eq3A_3 = arith.cmpi eq, %arg0, %eq3A : i32
    %jit3A = arith.constant 105 : i32
    %jit3A_4 = arith.constant 53 : i32
    %select_n3A = arith.select %eq3A_3, %jit3A, %jit3A_4 : i32
    %while3A = arith.constant 0 : i32
    %while3A_5 = arith.constant 0 : i32
    %while3A_6 = arith.subi %select_n3A, %while3A_5 : i32
    %while3A_7 = arith.addi %while3A_5, %while3A_6 : i32
    %while3A_8 = arith.constant 1 : i32
    %while3A_9 = arith.divsi %while3A_6, %while3A_8 : i32
    %while3A_10 = arith.muli %while3A_9, %while3A_8 : i32
    %while3A_11 = arith.addi %while3A_5, %while3A_10 : i32
    %while3A_12 = arith.constant 1 : i32
    scf.for %while3A_19 = %while3A_5 to %while3A_11 step %while3A_12  : i32 {
      "tpu.region"() ({
        %run_scoped3A = tpu.sem_alloc : memref<!tpu.dma_semaphore, #tpu.memory_space<semaphore_mem>>
        %dma_start3A = arith.constant 0 : i32
        %dma_start3A_20 = tpu.memref_slice %arg7[%while3A_19, %dma_start3A] : memref<105x128xi32, #tpu.memory_space<vmem>> -> memref<1x128xi32, #tpu.memory_space<vmem>>
        %dma_start3A_21 = tpu.memref_squeeze %dma_start3A_20 : memref<1x128xi32, #tpu.memory_space<vmem>> -> memref<128xi32, #tpu.memory_space<vmem>>
        %dma_start3A_22 = arith.constant 0 : i32
        %dma_start3A_23 = arith.constant 0 : i32
        %dma_start3A_24 = tpu.memref_slice %arg2[%dma_start3A_22, %dma_start3A_23] : memref<10000x128xf32, #tpu.memory_space<hbm>> -> memref<10000x128xf32, #tpu.memory_space<hbm>>
        tpu.enqueue_indirect_dma source(%dma_start3A_24 : memref<10000x128xf32, #tpu.memory_space<hbm>>) target(%arg9 : memref<128x128xf32, #tpu.memory_space<vmem>>) offsets(%dma_start3A_21 : memref<128xi32, #tpu.memory_space<vmem>>) semaphore(%run_scoped3A : memref<!tpu.dma_semaphore, #tpu.memory_space<semaphore_mem>>)
        %dma_wait3A = arith.constant 0 : i32
        %dma_wait3A_25 = tpu.memref_slice %arg7[%while3A_19, %dma_wait3A] : memref<105x128xi32, #tpu.memory_space<vmem>> -> memref<1x128xi32, #tpu.memory_space<vmem>>
        %dma_wait3A_26 = tpu.memref_squeeze %dma_wait3A_25 : memref<1x128xi32, #tpu.memory_space<vmem>> -> memref<128xi32, #tpu.memory_space<vmem>>
        %dma_wait3A_27 = arith.constant 0 : i32
        %dma_wait3A_28 = arith.constant 0 : i32
        %dma_wait3A_29 = tpu.memref_slice %arg2[%dma_wait3A_27, %dma_wait3A_28] : memref<10000x128xf32, #tpu.memory_space<hbm>> -> memref<10000x128xf32, #tpu.memory_space<hbm>>
        tpu.wait_indirect_dma semaphore(%run_scoped3A : memref<!tpu.dma_semaphore, #tpu.memory_space<semaphore_mem>>) src(%dma_wait3A_29 : memref<10000x128xf32, #tpu.memory_space<hbm>>) dst(%arg9 : memref<128x128xf32, #tpu.memory_space<vmem>>)
        tpu.yield
      }) : () -> ()
      "tpu.region"() ({
        %run_scoped3A = tpu.sem_alloc : memref<!tpu.dma_semaphore, #tpu.memory_space<semaphore_mem>>
        %dma_start3A = arith.constant 0 : i32
        %dma_start3A_20 = tpu.memref_slice %arg8[%while3A_19, %dma_start3A] : memref<105x128xi32, #tpu.memory_space<vmem>> -> memref<1x128xi32, #tpu.memory_space<vmem>>
        %dma_start3A_21 = tpu.memref_squeeze %dma_start3A_20 : memref<1x128xi32, #tpu.memory_space<vmem>> -> memref<128xi32, #tpu.memory_space<vmem>>
        %dma_start3A_22 = arith.constant 0 : i32
        %dma_start3A_23 = arith.constant 0 : i32
        %dma_start3A_24 = tpu.memref_slice %arg10[%dma_start3A_22, %dma_start3A_23] : memref<10240x128xf32, #tpu.memory_space<vmem_shared>> -> memref<10240x128xf32, #tpu.memory_space<vmem_shared>>
        tpu.enqueue_indirect_dma source(%arg9 : memref<128x128xf32, #tpu.memory_space<vmem>>) target(%dma_start3A_24 : memref<10240x128xf32, #tpu.memory_space<vmem_shared>>) offsets(%dma_start3A_21 : memref<128xi32, #tpu.memory_space<vmem>>) semaphore(%run_scoped3A : memref<!tpu.dma_semaphore, #tpu.memory_space<semaphore_mem>>) {add = true}
        %dma_wait3A = arith.constant 0 : i32
        %dma_wait3A_25 = tpu.memref_slice %arg8[%while3A_19, %dma_wait3A] : memref<105x128xi32, #tpu.memory_space<vmem>> -> memref<1x128xi32, #tpu.memory_space<vmem>>
        %dma_wait3A_26 = tpu.memref_squeeze %dma_wait3A_25 : memref<1x128xi32, #tpu.memory_space<vmem>> -> memref<128xi32, #tpu.memory_space<vmem>>
        %dma_wait3A_27 = arith.constant 0 : i32
        %dma_wait3A_28 = arith.constant 0 : i32
        %dma_wait3A_29 = tpu.memref_slice %arg10[%dma_wait3A_27, %dma_wait3A_28] : memref<10240x128xf32, #tpu.memory_space<vmem_shared>> -> memref<10240x128xf32, #tpu.memory_space<vmem_shared>>
        tpu.wait_indirect_dma semaphore(%run_scoped3A : memref<!tpu.dma_semaphore, #tpu.memory_space<semaphore_mem>>) src(%arg9 : memref<128x128xf32, #tpu.memory_space<vmem>>) dst(%dma_wait3A_29 : memref<10240x128xf32, #tpu.memory_space<vmem_shared>>)
        tpu.yield
      }) : () -> ()
    }
    %while3A_13 = arith.constant 1 : i32
    scf.for %while3A_19 = %while3A_11 to %while3A_7 step %while3A_13  : i32 {
      "tpu.region"() ({
        %run_scoped3A = tpu.sem_alloc : memref<!tpu.dma_semaphore, #tpu.memory_space<semaphore_mem>>
        %dma_start3A = arith.constant 0 : i32
        %dma_start3A_20 = tpu.memref_slice %arg7[%while3A_19, %dma_start3A] : memref<105x128xi32, #tpu.memory_space<vmem>> -> memref<1x128xi32, #tpu.memory_space<vmem>>
        %dma_start3A_21 = tpu.memref_squeeze %dma_start3A_20 : memref<1x128xi32, #tpu.memory_space<vmem>> -> memref<128xi32, #tpu.memory_space<vmem>>
        %dma_start3A_22 = arith.constant 0 : i32
        %dma_start3A_23 = arith.constant 0 : i32
        %dma_start3A_24 = tpu.memref_slice %arg2[%dma_start3A_22, %dma_start3A_23] : memref<10000x128xf32, #tpu.memory_space<hbm>> -> memref<10000x128xf32, #tpu.memory_space<hbm>>
        tpu.enqueue_indirect_dma source(%dma_start3A_24 : memref<10000x128xf32, #tpu.memory_space<hbm>>) target(%arg9 : memref<128x128xf32, #tpu.memory_space<vmem>>) offsets(%dma_start3A_21 : memref<128xi32, #tpu.memory_space<vmem>>) semaphore(%run_scoped3A : memref<!tpu.dma_semaphore, #tpu.memory_space<semaphore_mem>>)
        %dma_wait3A = arith.constant 0 : i32
        %dma_wait3A_25 = tpu.memref_slice %arg7[%while3A_19, %dma_wait3A] : memref<105x128xi32, #tpu.memory_space<vmem>> -> memref<1x128xi32, #tpu.memory_space<vmem>>
        %dma_wait3A_26 = tpu.memref_squeeze %dma_wait3A_25 : memref<1x128xi32, #tpu.memory_space<vmem>> -> memref<128xi32, #tpu.memory_space<vmem>>
        %dma_wait3A_27 = arith.constant 0 : i32
        %dma_wait3A_28 = arith.constant 0 : i32
        %dma_wait3A_29 = tpu.memref_slice %arg2[%dma_wait3A_27, %dma_wait3A_28] : memref<10000x128xf32, #tpu.memory_space<hbm>> -> memref<10000x128xf32, #tpu.memory_space<hbm>>
        tpu.wait_indirect_dma semaphore(%run_scoped3A : memref<!tpu.dma_semaphore, #tpu.memory_space<semaphore_mem>>) src(%dma_wait3A_29 : memref<10000x128xf32, #tpu.memory_space<hbm>>) dst(%arg9 : memref<128x128xf32, #tpu.memory_space<vmem>>)
        tpu.yield
      }) : () -> ()
      "tpu.region"() ({
        %run_scoped3A = tpu.sem_alloc : memref<!tpu.dma_semaphore, #tpu.memory_space<semaphore_mem>>
        %dma_start3A = arith.constant 0 : i32
        %dma_start3A_20 = tpu.memref_slice %arg8[%while3A_19, %dma_start3A] : memref<105x128xi32, #tpu.memory_space<vmem>> -> memref<1x128xi32, #tpu.memory_space<vmem>>
        %dma_start3A_21 = tpu.memref_squeeze %dma_start3A_20 : memref<1x128xi32, #tpu.memory_space<vmem>> -> memref<128xi32, #tpu.memory_space<vmem>>
        %dma_start3A_22 = arith.constant 0 : i32
        %dma_start3A_23 = arith.constant 0 : i32
        %dma_start3A_24 = tpu.memref_slice %arg10[%dma_start3A_22, %dma_start3A_23] : memref<10240x128xf32, #tpu.memory_space<vmem_shared>> -> memref<10240x128xf32, #tpu.memory_space<vmem_shared>>
        tpu.enqueue_indirect_dma source(%arg9 : memref<128x128xf32, #tpu.memory_space<vmem>>) target(%dma_start3A_24 : memref<10240x128xf32, #tpu.memory_space<vmem_shared>>) offsets(%dma_start3A_21 : memref<128xi32, #tpu.memory_space<vmem>>) semaphore(%run_scoped3A : memref<!tpu.dma_semaphore, #tpu.memory_space<semaphore_mem>>) {add = true}
        %dma_wait3A = arith.constant 0 : i32
        %dma_wait3A_25 = tpu.memref_slice %arg8[%while3A_19, %dma_wait3A] : memref<105x128xi32, #tpu.memory_space<vmem>> -> memref<1x128xi32, #tpu.memory_space<vmem>>
        %dma_wait3A_26 = tpu.memref_squeeze %dma_wait3A_25 : memref<1x128xi32, #tpu.memory_space<vmem>> -> memref<128xi32, #tpu.memory_space<vmem>>
        %dma_wait3A_27 = arith.constant 0 : i32
        %dma_wait3A_28 = arith.constant 0 : i32
        %dma_wait3A_29 = tpu.memref_slice %arg10[%dma_wait3A_27, %dma_wait3A_28] : memref<10240x128xf32, #tpu.memory_space<vmem_shared>> -> memref<10240x128xf32, #tpu.memory_space<vmem_shared>>
        tpu.wait_indirect_dma semaphore(%run_scoped3A : memref<!tpu.dma_semaphore, #tpu.memory_space<semaphore_mem>>) src(%arg9 : memref<128x128xf32, #tpu.memory_space<vmem>>) dst(%dma_wait3A_29 : memref<10240x128xf32, #tpu.memory_space<vmem_shared>>)
        tpu.yield
      }) : () -> ()
    }
    %barrier3A_14 = arith.constant 0 : index
    tpu.barrier barrier_id(%barrier3A_14)
    %mul3A_15 = arith.constant 640 : i32
    %mul3A_16 = arith.muli %arg1, %mul3A_15 : i32
    %mul3A_17 = arith.constant 640 : i32
    %mul3A_18 = arith.muli %arg1, %mul3A_17 : i32
    "tpu.region"() ({
      %run_scoped3A = tpu.sem_alloc : memref<!tpu.dma_semaphore, #tpu.memory_space<semaphore_mem>>
      %dma_start3A = arith.constant 0 : i32
      %dma_start3A_19 = tpu.memref_slice %arg6[%arg0, %mul3A_18, %dma_start3A] : memref<2x10240x128xf32, #tpu.memory_space<hbm>> -> memref<1x640x128xf32, #tpu.memory_space<hbm>>
      %dma_start3A_20 = tpu.memref_squeeze %dma_start3A_19 : memref<1x640x128xf32, #tpu.memory_space<hbm>> -> memref<640x128xf32, #tpu.memory_space<hbm>>
      %dma_start3A_21 = arith.constant 0 : i32
      %dma_start3A_22 = tpu.memref_slice %arg10[%mul3A_16, %dma_start3A_21] : memref<10240x128xf32, #tpu.memory_space<vmem_shared>> -> memref<640x128xf32, #tpu.memory_space<vmem_shared>>
      tpu.enqueue_dma source(%dma_start3A_22 : memref<640x128xf32, #tpu.memory_space<vmem_shared>>) target(%dma_start3A_20 : memref<640x128xf32, #tpu.memory_space<hbm>>) target_semaphore(%run_scoped3A : memref<!tpu.dma_semaphore, #tpu.memory_space<semaphore_mem>>)
      %dma_wait3A = arith.constant 0 : i32
      %dma_wait3A_23 = tpu.memref_slice %arg6[%arg0, %mul3A_18, %dma_wait3A] : memref<2x10240x128xf32, #tpu.memory_space<hbm>> -> memref<1x640x128xf32, #tpu.memory_space<hbm>>
      %dma_wait3A_24 = tpu.memref_squeeze %dma_wait3A_23 : memref<1x640x128xf32, #tpu.memory_space<hbm>> -> memref<640x128xf32, #tpu.memory_space<hbm>>
      %dma_wait3A_25 = arith.constant 0 : i32
      %dma_wait3A_26 = tpu.memref_slice %arg10[%mul3A_16, %dma_wait3A_25] : memref<10240x128xf32, #tpu.memory_space<vmem_shared>> -> memref<640x128xf32, #tpu.memory_space<vmem_shared>>
      tpu.wait_dma2 semaphore(%run_scoped3A : memref<!tpu.dma_semaphore, #tpu.memory_space<semaphore_mem>>) src(%dma_wait3A_26 : memref<640x128xf32, #tpu.memory_space<vmem_shared>>) dst(%dma_wait3A_24 : memref<640x128xf32, #tpu.memory_space<hbm>>)
      tpu.yield
    }) : () -> ()
    return
  }
}

#map = affine_map<(d0, d1) -> (0, 0)>
#map1 = affine_map<(d0, d1) -> (0, 0, 0)>
module attributes {stable_mosaic.version = 14 : i64} {
  func.func @agg_kernel(%arg0: i32, %arg1: i32, %arg2: memref<10000x128xf32, #tpu.memory_space<hbm>>, %arg3: memref<32x105x128xi32, #tpu.memory_space<hbm>>, %arg4: memref<32x105x128xi32, #tpu.memory_space<hbm>>, %arg5: memref<640x128xf32, #tpu.memory_space<hbm>>, %arg6: memref<2x10240x128xf32, #tpu.memory_space<hbm>>, %arg7: memref<105x128xi32, #tpu.memory_space<vmem>>, %arg8: memref<105x128xi32, #tpu.memory_space<vmem>>, %arg9: memref<128x128xf32, #tpu.memory_space<vmem>>, %arg10: memref<10240x128xf32, #tpu.memory_space<vmem_shared>>) attributes {dimension_semantics = [#tpu.dimension_semantics<core_parallel>, #tpu.dimension_semantics<subcore_parallel>], iteration_bounds = array<i64: 2, 16>, scalar_prefetch = 0 : i64, scratch_operands = 4 : i64, tpu.core_type = #tpu.core_type<sc_vector_subcore>, window_params = [{transform_indices = #map}, {transform_indices = #map1}, {transform_indices = #map1}, {transform_indices = #map}, {transform_indices = #map1}]} {
    %mul3A = arith.constant 2 : i32
    %mul3A_0 = arith.muli %arg1, %mul3A : i32
    %add3A = arith.addi %mul3A_0, %arg0 : i32
    "tpu.region"() ({
      %run_scoped3A = tpu.sem_alloc : memref<!tpu.dma_semaphore, #tpu.memory_space<semaphore_mem>>
      %dma_start3A = arith.constant 0 : i32
      %dma_start3A_19 = arith.constant 0 : i32
      %dma_start3A_20 = tpu.memref_slice %arg3[%add3A, %dma_start3A, %dma_start3A_19] : memref<32x105x128xi32, #tpu.memory_space<hbm>> -> memref<1x105x128xi32, #tpu.memory_space<hbm>>
      %dma_start3A_21 = tpu.memref_squeeze %dma_start3A_20 : memref<1x105x128xi32, #tpu.memory_space<hbm>> -> memref<105x128xi32, #tpu.memory_space<hbm>>
      %dma_start3A_22 = arith.constant 0 : i32
      %dma_start3A_23 = arith.constant 0 : i32
      %dma_start3A_24 = tpu.memref_slice %arg3[%add3A, %dma_start3A_22, %dma_start3A_23] : memref<32x105x128xi32, #tpu.memory_space<hbm>> -> memref<1x105x128xi32, #tpu.memory_space<hbm>>
      %dma_start3A_25 = tpu.memref_squeeze %dma_start3A_24 : memref<1x105x128xi32, #tpu.memory_space<hbm>> -> memref<105x128xi32, #tpu.memory_space<hbm>>
      tpu.enqueue_dma source(%dma_start3A_25 : memref<105x128xi32, #tpu.memory_space<hbm>>) target(%arg7 : memref<105x128xi32, #tpu.memory_space<vmem>>) target_semaphore(%run_scoped3A : memref<!tpu.dma_semaphore, #tpu.memory_space<semaphore_mem>>)
      %dma_wait3A = arith.constant 0 : i32
      %dma_wait3A_26 = arith.constant 0 : i32
      %dma_wait3A_27 = tpu.memref_slice %arg3[%add3A, %dma_wait3A, %dma_wait3A_26] : memref<32x105x128xi32, #tpu.memory_space<hbm>> -> memref<1x105x128xi32, #tpu.memory_space<hbm>>
      %dma_wait3A_28 = tpu.memref_squeeze %dma_wait3A_27 : memref<1x105x128xi32, #tpu.memory_space<hbm>> -> memref<105x128xi32, #tpu.memory_space<hbm>>
      %dma_wait3A_29 = arith.constant 0 : i32
      %dma_wait3A_30 = arith.constant 0 : i32
      %dma_wait3A_31 = tpu.memref_slice %arg3[%add3A, %dma_wait3A_29, %dma_wait3A_30] : memref<32x105x128xi32, #tpu.memory_space<hbm>> -> memref<1x105x128xi32, #tpu.memory_space<hbm>>
      %dma_wait3A_32 = tpu.memref_squeeze %dma_wait3A_31 : memref<1x105x128xi32, #tpu.memory_space<hbm>> -> memref<105x128xi32, #tpu.memory_space<hbm>>
      tpu.wait_dma2 semaphore(%run_scoped3A : memref<!tpu.dma_semaphore, #tpu.memory_space<semaphore_mem>>) src(%dma_wait3A_32 : memref<105x128xi32, #tpu.memory_space<hbm>>) dst(%arg7 : memref<105x128xi32, #tpu.memory_space<vmem>>)
      tpu.yield
    }) : () -> ()
    "tpu.region"() ({
      %run_scoped3A = tpu.sem_alloc : memref<!tpu.dma_semaphore, #tpu.memory_space<semaphore_mem>>
      %dma_start3A = arith.constant 0 : i32
      %dma_start3A_19 = arith.constant 0 : i32
      %dma_start3A_20 = tpu.memref_slice %arg4[%add3A, %dma_start3A, %dma_start3A_19] : memref<32x105x128xi32, #tpu.memory_space<hbm>> -> memref<1x105x128xi32, #tpu.memory_space<hbm>>
      %dma_start3A_21 = tpu.memref_squeeze %dma_start3A_20 : memref<1x105x128xi32, #tpu.memory_space<hbm>> -> memref<105x128xi32, #tpu.memory_space<hbm>>
      %dma_start3A_22 = arith.constant 0 : i32
      %dma_start3A_23 = arith.constant 0 : i32
      %dma_start3A_24 = tpu.memref_slice %arg4[%add3A, %dma_start3A_22, %dma_start3A_23] : memref<32x105x128xi32, #tpu.memory_space<hbm>> -> memref<1x105x128xi32, #tpu.memory_space<hbm>>
      %dma_start3A_25 = tpu.memref_squeeze %dma_start3A_24 : memref<1x105x128xi32, #tpu.memory_space<hbm>> -> memref<105x128xi32, #tpu.memory_space<hbm>>
      tpu.enqueue_dma source(%dma_start3A_25 : memref<105x128xi32, #tpu.memory_space<hbm>>) target(%arg8 : memref<105x128xi32, #tpu.memory_space<vmem>>) target_semaphore(%run_scoped3A : memref<!tpu.dma_semaphore, #tpu.memory_space<semaphore_mem>>)
      %dma_wait3A = arith.constant 0 : i32
      %dma_wait3A_26 = arith.constant 0 : i32
      %dma_wait3A_27 = tpu.memref_slice %arg4[%add3A, %dma_wait3A, %dma_wait3A_26] : memref<32x105x128xi32, #tpu.memory_space<hbm>> -> memref<1x105x128xi32, #tpu.memory_space<hbm>>
      %dma_wait3A_28 = tpu.memref_squeeze %dma_wait3A_27 : memref<1x105x128xi32, #tpu.memory_space<hbm>> -> memref<105x128xi32, #tpu.memory_space<hbm>>
      %dma_wait3A_29 = arith.constant 0 : i32
      %dma_wait3A_30 = arith.constant 0 : i32
      %dma_wait3A_31 = tpu.memref_slice %arg4[%add3A, %dma_wait3A_29, %dma_wait3A_30] : memref<32x105x128xi32, #tpu.memory_space<hbm>> -> memref<1x105x128xi32, #tpu.memory_space<hbm>>
      %dma_wait3A_32 = tpu.memref_squeeze %dma_wait3A_31 : memref<1x105x128xi32, #tpu.memory_space<hbm>> -> memref<105x128xi32, #tpu.memory_space<hbm>>
      tpu.wait_dma2 semaphore(%run_scoped3A : memref<!tpu.dma_semaphore, #tpu.memory_space<semaphore_mem>>) src(%dma_wait3A_32 : memref<105x128xi32, #tpu.memory_space<hbm>>) dst(%arg8 : memref<105x128xi32, #tpu.memory_space<vmem>>)
      tpu.yield
    }) : () -> ()
    %mul3A_1 = arith.constant 640 : i32
    %mul3A_2 = arith.muli %arg1, %mul3A_1 : i32
    "tpu.region"() ({
      %run_scoped3A = tpu.sem_alloc : memref<!tpu.dma_semaphore, #tpu.memory_space<semaphore_mem>>
      %dma_start3A = arith.constant 0 : i32
      %dma_start3A_19 = tpu.memref_slice %arg10[%mul3A_2, %dma_start3A] : memref<10240x128xf32, #tpu.memory_space<vmem_shared>> -> memref<640x128xf32, #tpu.memory_space<vmem_shared>>
      tpu.enqueue_dma source(%arg5 : memref<640x128xf32, #tpu.memory_space<hbm>>) target(%dma_start3A_19 : memref<640x128xf32, #tpu.memory_space<vmem_shared>>) target_semaphore(%run_scoped3A : memref<!tpu.dma_semaphore, #tpu.memory_space<semaphore_mem>>)
      %dma_wait3A = arith.constant 0 : i32
      %dma_wait3A_20 = tpu.memref_slice %arg10[%mul3A_2, %dma_wait3A] : memref<10240x128xf32, #tpu.memory_space<vmem_shared>> -> memref<640x128xf32, #tpu.memory_space<vmem_shared>>
      tpu.wait_dma2 semaphore(%run_scoped3A : memref<!tpu.dma_semaphore, #tpu.memory_space<semaphore_mem>>) src(%arg5 : memref<640x128xf32, #tpu.memory_space<hbm>>) dst(%dma_wait3A_20 : memref<640x128xf32, #tpu.memory_space<vmem_shared>>)
      tpu.yield
    }) : () -> ()
    %barrier3A = arith.constant 0 : index
    tpu.barrier barrier_id(%barrier3A)
    %eq3A = arith.constant 0 : i32
    %eq3A_3 = arith.cmpi eq, %arg0, %eq3A : i32
    %jit3A = arith.constant 105 : i32
    %jit3A_4 = arith.constant 53 : i32
    %select_n3A = arith.select %eq3A_3, %jit3A, %jit3A_4 : i32
    %while3A = arith.constant 0 : i32
    %while3A_5 = arith.constant 0 : i32
    %while3A_6 = arith.subi %select_n3A, %while3A_5 : i32
    %while3A_7 = arith.addi %while3A_5, %while3A_6 : i32
    %while3A_8 = arith.constant 1 : i32
    %while3A_9 = arith.divsi %while3A_6, %while3A_8 : i32
    %while3A_10 = arith.muli %while3A_9, %while3A_8 : i32
    %while3A_11 = arith.addi %while3A_5, %while3A_10 : i32
    %while3A_12 = arith.constant 1 : i32
    scf.for %while3A_19 = %while3A_5 to %while3A_11 step %while3A_12  : i32 {
      "tpu.region"() ({
        %run_scoped3A = tpu.sem_alloc : memref<!tpu.dma_semaphore, #tpu.memory_space<semaphore_mem>>
        %dma_start3A = arith.constant 0 : i32
        %dma_start3A_20 = tpu.memref_slice %arg7[%while3A_19, %dma_start3A] : memref<105x128xi32, #tpu.memory_space<vmem>> -> memref<1x128xi32, #tpu.memory_space<vmem>>
        %dma_start3A_21 = tpu.memref_squeeze %dma_start3A_20 : memref<1x128xi32, #tpu.memory_space<vmem>> -> memref<128xi32, #tpu.memory_space<vmem>>
        %dma_start3A_22 = arith.constant 0 : i32
        %dma_start3A_23 = arith.constant 0 : i32
        %dma_start3A_24 = tpu.memref_slice %arg2[%dma_start3A_22, %dma_start3A_23] : memref<10000x128xf32, #tpu.memory_space<hbm>> -> memref<10000x128xf32, #tpu.memory_space<hbm>>
        tpu.enqueue_indirect_dma source(%dma_start3A_24 : memref<10000x128xf32, #tpu.memory_space<hbm>>) target(%arg9 : memref<128x128xf32, #tpu.memory_space<vmem>>) offsets(%dma_start3A_21 : memref<128xi32, #tpu.memory_space<vmem>>) semaphore(%run_scoped3A : memref<!tpu.dma_semaphore, #tpu.memory_space<semaphore_mem>>)
        %dma_wait3A = arith.constant 0 : i32
        %dma_wait3A_25 = tpu.memref_slice %arg7[%while3A_19, %dma_wait3A] : memref<105x128xi32, #tpu.memory_space<vmem>> -> memref<1x128xi32, #tpu.memory_space<vmem>>
        %dma_wait3A_26 = tpu.memref_squeeze %dma_wait3A_25 : memref<1x128xi32, #tpu.memory_space<vmem>> -> memref<128xi32, #tpu.memory_space<vmem>>
        %dma_wait3A_27 = arith.constant 0 : i32
        %dma_wait3A_28 = arith.constant 0 : i32
        %dma_wait3A_29 = tpu.memref_slice %arg2[%dma_wait3A_27, %dma_wait3A_28] : memref<10000x128xf32, #tpu.memory_space<hbm>> -> memref<10000x128xf32, #tpu.memory_space<hbm>>
        tpu.wait_indirect_dma semaphore(%run_scoped3A : memref<!tpu.dma_semaphore, #tpu.memory_space<semaphore_mem>>) src(%dma_wait3A_29 : memref<10000x128xf32, #tpu.memory_space<hbm>>) dst(%arg9 : memref<128x128xf32, #tpu.memory_space<vmem>>)
        tpu.yield
      }) : () -> ()
      "tpu.region"() ({
        %run_scoped3A = tpu.sem_alloc : memref<!tpu.dma_semaphore, #tpu.memory_space<semaphore_mem>>
        %dma_start3A = arith.constant 0 : i32
        %dma_start3A_20 = tpu.memref_slice %arg8[%while3A_19, %dma_start3A] : memref<105x128xi32, #tpu.memory_space<vmem>> -> memref<1x128xi32, #tpu.memory_space<vmem>>
        %dma_start3A_21 = tpu.memref_squeeze %dma_start3A_20 : memref<1x128xi32, #tpu.memory_space<vmem>> -> memref<128xi32, #tpu.memory_space<vmem>>
        %dma_start3A_22 = arith.constant 0 : i32
        %dma_start3A_23 = arith.constant 0 : i32
        %dma_start3A_24 = tpu.memref_slice %arg10[%dma_start3A_22, %dma_start3A_23] : memref<10240x128xf32, #tpu.memory_space<vmem_shared>> -> memref<10240x128xf32, #tpu.memory_space<vmem_shared>>
        tpu.enqueue_indirect_dma source(%arg9 : memref<128x128xf32, #tpu.memory_space<vmem>>) target(%dma_start3A_24 : memref<10240x128xf32, #tpu.memory_space<vmem_shared>>) offsets(%dma_start3A_21 : memref<128xi32, #tpu.memory_space<vmem>>) semaphore(%run_scoped3A : memref<!tpu.dma_semaphore, #tpu.memory_space<semaphore_mem>>) {add = true}
        %dma_wait3A = arith.constant 0 : i32
        %dma_wait3A_25 = tpu.memref_slice %arg8[%while3A_19, %dma_wait3A] : memref<105x128xi32, #tpu.memory_space<vmem>> -> memref<1x128xi32, #tpu.memory_space<vmem>>
        %dma_wait3A_26 = tpu.memref_squeeze %dma_wait3A_25 : memref<1x128xi32, #tpu.memory_space<vmem>> -> memref<128xi32, #tpu.memory_space<vmem>>
        %dma_wait3A_27 = arith.constant 0 : i32
        %dma_wait3A_28 = arith.constant 0 : i32
        %dma_wait3A_29 = tpu.memref_slice %arg10[%dma_wait3A_27, %dma_wait3A_28] : memref<10240x128xf32, #tpu.memory_space<vmem_shared>> -> memref<10240x128xf32, #tpu.memory_space<vmem_shared>>
        tpu.wait_indirect_dma semaphore(%run_scoped3A : memref<!tpu.dma_semaphore, #tpu.memory_space<semaphore_mem>>) src(%arg9 : memref<128x128xf32, #tpu.memory_space<vmem>>) dst(%dma_wait3A_29 : memref<10240x128xf32, #tpu.memory_space<vmem_shared>>)
        tpu.yield
      }) : () -> ()
    }
    %while3A_13 = arith.constant 1 : i32
    scf.for %while3A_19 = %while3A_11 to %while3A_7 step %while3A_13  : i32 {
      "tpu.region"() ({
        %run_scoped3A = tpu.sem_alloc : memref<!tpu.dma_semaphore, #tpu.memory_space<semaphore_mem>>
        %dma_start3A = arith.constant 0 : i32
        %dma_start3A_20 = tpu.memref_slice %arg7[%while3A_19, %dma_start3A] : memref<105x128xi32, #tpu.memory_space<vmem>> -> memref<1x128xi32, #tpu.memory_space<vmem>>
        %dma_start3A_21 = tpu.memref_squeeze %dma_start3A_20 : memref<1x128xi32, #tpu.memory_space<vmem>> -> memref<128xi32, #tpu.memory_space<vmem>>
        %dma_start3A_22 = arith.constant 0 : i32
        %dma_start3A_23 = arith.constant 0 : i32
        %dma_start3A_24 = tpu.memref_slice %arg2[%dma_start3A_22, %dma_start3A_23] : memref<10000x128xf32, #tpu.memory_space<hbm>> -> memref<10000x128xf32, #tpu.memory_space<hbm>>
        tpu.enqueue_indirect_dma source(%dma_start3A_24 : memref<10000x128xf32, #tpu.memory_space<hbm>>) target(%arg9 : memref<128x128xf32, #tpu.memory_space<vmem>>) offsets(%dma_start3A_21 : memref<128xi32, #tpu.memory_space<vmem>>) semaphore(%run_scoped3A : memref<!tpu.dma_semaphore, #tpu.memory_space<semaphore_mem>>)
        %dma_wait3A = arith.constant 0 : i32
        %dma_wait3A_25 = tpu.memref_slice %arg7[%while3A_19, %dma_wait3A] : memref<105x128xi32, #tpu.memory_space<vmem>> -> memref<1x128xi32, #tpu.memory_space<vmem>>
        %dma_wait3A_26 = tpu.memref_squeeze %dma_wait3A_25 : memref<1x128xi32, #tpu.memory_space<vmem>> -> memref<128xi32, #tpu.memory_space<vmem>>
        %dma_wait3A_27 = arith.constant 0 : i32
        %dma_wait3A_28 = arith.constant 0 : i32
        %dma_wait3A_29 = tpu.memref_slice %arg2[%dma_wait3A_27, %dma_wait3A_28] : memref<10000x128xf32, #tpu.memory_space<hbm>> -> memref<10000x128xf32, #tpu.memory_space<hbm>>
        tpu.wait_indirect_dma semaphore(%run_scoped3A : memref<!tpu.dma_semaphore, #tpu.memory_space<semaphore_mem>>) src(%dma_wait3A_29 : memref<10000x128xf32, #tpu.memory_space<hbm>>) dst(%arg9 : memref<128x128xf32, #tpu.memory_space<vmem>>)
        tpu.yield
      }) : () -> ()
      "tpu.region"() ({
        %run_scoped3A = tpu.sem_alloc : memref<!tpu.dma_semaphore, #tpu.memory_space<semaphore_mem>>
        %dma_start3A = arith.constant 0 : i32
        %dma_start3A_20 = tpu.memref_slice %arg8[%while3A_19, %dma_start3A] : memref<105x128xi32, #tpu.memory_space<vmem>> -> memref<1x128xi32, #tpu.memory_space<vmem>>
        %dma_start3A_21 = tpu.memref_squeeze %dma_start3A_20 : memref<1x128xi32, #tpu.memory_space<vmem>> -> memref<128xi32, #tpu.memory_space<vmem>>
        %dma_start3A_22 = arith.constant 0 : i32
        %dma_start3A_23 = arith.constant 0 : i32
        %dma_start3A_24 = tpu.memref_slice %arg10[%dma_start3A_22, %dma_start3A_23] : memref<10240x128xf32, #tpu.memory_space<vmem_shared>> -> memref<10240x128xf32, #tpu.memory_space<vmem_shared>>
        tpu.enqueue_indirect_dma source(%arg9 : memref<128x128xf32, #tpu.memory_space<vmem>>) target(%dma_start3A_24 : memref<10240x128xf32, #tpu.memory_space<vmem_shared>>) offsets(%dma_start3A_21 : memref<128xi32, #tpu.memory_space<vmem>>) semaphore(%run_scoped3A : memref<!tpu.dma_semaphore, #tpu.memory_space<semaphore_mem>>) {add = true}
        %dma_wait3A = arith.constant 0 : i32
        %dma_wait3A_25 = tpu.memref_slice %arg8[%while3A_19, %dma_wait3A] : memref<105x128xi32, #tpu.memory_space<vmem>> -> memref<1x128xi32, #tpu.memory_space<vmem>>
        %dma_wait3A_26 = tpu.memref_squeeze %dma_wait3A_25 : memref<1x128xi32, #tpu.memory_space<vmem>> -> memref<128xi32, #tpu.memory_space<vmem>>
        %dma_wait3A_27 = arith.constant 0 : i32
        %dma_wait3A_28 = arith.constant 0 : i32
        %dma_wait3A_29 = tpu.memref_slice %arg10[%dma_wait3A_27, %dma_wait3A_28] : memref<10240x128xf32, #tpu.memory_space<vmem_shared>> -> memref<10240x128xf32, #tpu.memory_space<vmem_shared>>
        tpu.wait_indirect_dma semaphore(%run_scoped3A : memref<!tpu.dma_semaphore, #tpu.memory_space<semaphore_mem>>) src(%arg9 : memref<128x128xf32, #tpu.memory_space<vmem>>) dst(%dma_wait3A_29 : memref<10240x128xf32, #tpu.memory_space<vmem_shared>>)
        tpu.yield
      }) : () -> ()
    }
    %barrier3A_14 = arith.constant 0 : index
    tpu.barrier barrier_id(%barrier3A_14)
    %mul3A_15 = arith.constant 640 : i32
    %mul3A_16 = arith.muli %arg1, %mul3A_15 : i32
    %mul3A_17 = arith.constant 640 : i32
    %mul3A_18 = arith.muli %arg1, %mul3A_17 : i32
    "tpu.region"() ({
      %run_scoped3A = tpu.sem_alloc : memref<!tpu.dma_semaphore, #tpu.memory_space<semaphore_mem>>
      %dma_start3A = arith.constant 0 : i32
      %dma_start3A_19 = tpu.memref_slice %arg6[%arg0, %mul3A_18, %dma_start3A] : memref<2x10240x128xf32, #tpu.memory_space<hbm>> -> memref<1x640x128xf32, #tpu.memory_space<hbm>>
      %dma_start3A_20 = tpu.memref_squeeze %dma_start3A_19 : memref<1x640x128xf32, #tpu.memory_space<hbm>> -> memref<640x128xf32, #tpu.memory_space<hbm>>
      %dma_start3A_21 = arith.constant 0 : i32
      %dma_start3A_22 = tpu.memref_slice %arg10[%mul3A_16, %dma_start3A_21] : memref<10240x128xf32, #tpu.memory_space<vmem_shared>> -> memref<640x128xf32, #tpu.memory_space<vmem_shared>>
      tpu.enqueue_dma source(%dma_start3A_22 : memref<640x128xf32, #tpu.memory_space<vmem_shared>>) target(%dma_start3A_20 : memref<640x128xf32, #tpu.memory_space<hbm>>) target_semaphore(%run_scoped3A : memref<!tpu.dma_semaphore, #tpu.memory_space<semaphore_mem>>)
      %dma_wait3A = arith.constant 0 : i32
      %dma_wait3A_23 = tpu.memref_slice %arg6[%arg0, %mul3A_18, %dma_wait3A] : memref<2x10240x128xf32, #tpu.memory_space<hbm>> -> memref<1x640x128xf32, #tpu.memory_space<hbm>>
      %dma_wait3A_24 = tpu.memref_squeeze %dma_wait3A_23 : memref<1x640x128xf32, #tpu.memory_space<hbm>> -> memref<640x128xf32, #tpu.memory_space<hbm>>
      %dma_wait3A_25 = arith.constant 0 : i32
      %dma_wait3A_26 = tpu.memref_slice %arg10[%mul3A_16, %dma_wait3A_25] : memref<10240x128xf32, #tpu.memory_space<vmem_shared>> -> memref<640x128xf32, #tpu.memory_space<vmem_shared>>
      tpu.wait_dma2 semaphore(%run_scoped3A : memref<!tpu.dma_semaphore, #tpu.memory_space<semaphore_mem>>) src(%dma_wait3A_26 : memref<640x128xf32, #tpu.memory_space<vmem_shared>>) dst(%dma_wait3A_24 : memref<640x128xf32, #tpu.memory_space<hbm>>)
      tpu.yield
    }) : () -> ()
    return
  }
}

module attributes {stable_mosaic.version = 14 : i64} {
  func.func @_tc1_body(%arg0: i32, %arg1: memref<1000x128xf32, #tpu.memory_space<vmem>>, %arg2: memref<128x128xf32, #tpu.memory_space<vmem>>, %arg3: memref<1000x2xf32, #tpu.memory_space<vmem>>, %arg4: memref<1000x128xf32, #tpu.memory_space<vmem>>) attributes {dimension_semantics = [#tpu.dimension_semantics<arbitrary>], iteration_bounds = array<i64: 10>, scalar_prefetch = 0 : i64, scratch_operands = 0 : i64, tpu.core_type = #tpu.core_type<tc>, window_params = [{transform_indices = @transform_0, window_bounds = array<i64: 1000, 128>}, {pipeline_mode = #tpu.pipeline_mode<synchronous>, transform_indices = @transform_1, window_bounds = array<i64: 128, 128>}, {transform_indices = @transform_2, window_bounds = array<i64: 1000, 2>}, {transform_indices = @transform_3, window_bounds = array<i64: 1000, 128>}]} {
    %get3A = arith.constant 0 : index
    %get3A_0 = arith.constant 0 : index
    %get3A_1 = vector.load %arg3[%get3A, %get3A_0] : memref<1000x2xf32, #tpu.memory_space<vmem>>, vector<1000x2xf32>
    %slice3A = vector.extract_strided_slice %get3A_1 {offsets = [0, 0], sizes = [1000, 1], strides = [1, 1]} : vector<1000x2xf32> to vector<1000x1xf32>
    %squeeze3A = vector.shape_cast %slice3A : vector<1000x1xf32> to vector<1000xf32>
    %slice3A_2 = vector.extract_strided_slice %get3A_1 {offsets = [0, 1], sizes = [1000, 1], strides = [1, 1]} : vector<1000x2xf32> to vector<1000x1xf32>
    %squeeze3A_3 = vector.shape_cast %slice3A_2 : vector<1000x1xf32> to vector<1000xf32>
    %add3A = arith.addf %squeeze3A, %squeeze3A_3 : vector<1000xf32>
    %add3A_4 = arith.constant 1.000000e+00 : f32
    %add3A_5 = vector.broadcast %add3A_4 : f32 to vector<1000xf32>
    %add3A_6 = arith.addf %add3A, %add3A_5 : vector<1000xf32>
    %rsqrt3A = math.rsqrt %add3A_6 : vector<1000xf32>
    %get3A_7 = arith.constant 0 : index
    %get3A_8 = arith.constant 0 : index
    %get3A_9 = vector.load %arg1[%get3A_7, %get3A_8] : memref<1000x128xf32, #tpu.memory_space<vmem>>, vector<1000x128xf32>
    %get3A_10 = arith.constant 0 : index
    %get3A_11 = arith.constant 0 : index
    %get3A_12 = vector.load %arg2[%get3A_10, %get3A_11] : memref<128x128xf32, #tpu.memory_space<vmem>>, vector<128x128xf32>
    %dot_general3A = arith.constant dense<0.000000e+00> : vector<1000x128xf32>
    %dot_general3A_13 = tpu.matmul %get3A_9, %get3A_12, %dot_general3A {dimension_numbers = #tpu.dot_dimension_numbers<[1], [0], [0], [1], [0, 0, 1, 1], [], []>, transpose_lhs_hint = false} : vector<1000x128xf32>, vector<128x128xf32>, vector<1000x128xf32> -> vector<1000x128xf32>
    %broadcast_in_dim3A = vector.shape_cast %rsqrt3A : vector<1000xf32> to vector<1000x1xf32>
    %mul3A = vector.broadcast %broadcast_in_dim3A : vector<1000x1xf32> to vector<1000x128xf32>
    %mul3A_14 = arith.mulf %dot_general3A_13, %mul3A : vector<1000x128xf32>
    %swap3A = arith.constant 0 : index
    %swap3A_15 = arith.constant 0 : index
    %swap3A_16 = vector.load %arg4[%swap3A, %swap3A_15] : memref<1000x128xf32, #tpu.memory_space<vmem>>, vector<1000x128xf32>
    tpu.vector_store %arg4[%swap3A, %swap3A_15], %mul3A_14 {strides = array<i32>} : memref<1000x128xf32, #tpu.memory_space<vmem>>, vector<1000x128xf32>,
    return
  }
  func.func @transform_0(%arg0: i32) -> (i32, i32) {
    %c0_i32 = arith.constant 0 : i32
    %c0_i32_0 = arith.constant 0 : i32
    return %arg0, %c0_i32 : i32, i32
  }
  func.func @transform_1(%arg0: i32) -> (i32, i32) {
    %c0_i32 = arith.constant 0 : i32
    %c0_i32_0 = arith.constant 0 : i32
    %c0_i32_1 = arith.constant 0 : i32
    return %c0_i32, %c0_i32_0 : i32, i32
  }
  func.func @transform_2(%arg0: i32) -> (i32, i32) {
    %c0_i32 = arith.constant 0 : i32
    %c0_i32_0 = arith.constant 0 : i32
    return %arg0, %c0_i32 : i32, i32
  }
  func.func @transform_3(%arg0: i32) -> (i32, i32) {
    %c0_i32 = arith.constant 0 : i32
    %c0_i32_0 = arith.constant 0 : i32
    return %arg0, %c0_i32 : i32, i32
  }
}

module attributes {stable_mosaic.version = 14 : i64} {
  func.func @_tc2_body(%arg0: i32, %arg1: memref<2x1000x128xf32, #tpu.memory_space<vmem>>, %arg2: memref<1000x128xf32, #tpu.memory_space<vmem>>, %arg3: memref<1000x2xf32, #tpu.memory_space<vmem>>, %arg4: memref<1x128xf32, #tpu.memory_space<vmem>>, %arg5: memref<128x128xf32, #tpu.memory_space<vmem>>, %arg6: memref<1000x128xf32, #tpu.memory_space<vmem>>) attributes {dimension_semantics = [#tpu.dimension_semantics<arbitrary>], iteration_bounds = array<i64: 10>, scalar_prefetch = 0 : i64, scratch_operands = 0 : i64, tpu.core_type = #tpu.core_type<tc>, window_params = [{transform_indices = @transform_0, window_bounds = array<i64: 2, 1000, 128>}, {transform_indices = @transform_1, window_bounds = array<i64: 1000, 128>}, {transform_indices = @transform_2, window_bounds = array<i64: 1000, 2>}, {pipeline_mode = #tpu.pipeline_mode<synchronous>, transform_indices = @transform_3, window_bounds = array<i64: 1, 128>}, {pipeline_mode = #tpu.pipeline_mode<synchronous>, transform_indices = @transform_4, window_bounds = array<i64: 128, 128>}, {transform_indices = @transform_5, window_bounds = array<i64: 1000, 128>}]} {
    %get3A = arith.constant 0 : index
    %get3A_0 = arith.constant 0 : index
    %get3A_1 = vector.load %arg3[%get3A, %get3A_0] : memref<1000x2xf32, #tpu.memory_space<vmem>>, vector<1000x2xf32>
    %slice3A = vector.extract_strided_slice %get3A_1 {offsets = [0, 0], sizes = [1000, 1], strides = [1, 1]} : vector<1000x2xf32> to vector<1000x1xf32>
    %squeeze3A = vector.shape_cast %slice3A : vector<1000x1xf32> to vector<1000xf32>
    %slice3A_2 = vector.extract_strided_slice %get3A_1 {offsets = [0, 1], sizes = [1000, 1], strides = [1, 1]} : vector<1000x2xf32> to vector<1000x1xf32>
    %squeeze3A_3 = vector.shape_cast %slice3A_2 : vector<1000x1xf32> to vector<1000xf32>
    %add3A = arith.addf %squeeze3A, %squeeze3A_3 : vector<1000xf32>
    %add3A_4 = arith.constant 1.000000e+00 : f32
    %add3A_5 = vector.broadcast %add3A_4 : f32 to vector<1000xf32>
    %add3A_6 = arith.addf %add3A, %add3A_5 : vector<1000xf32>
    %rsqrt3A = math.rsqrt %add3A_6 : vector<1000xf32>
    %get3A_7 = arith.constant 0 : index
    %get3A_8 = arith.constant 0 : index
    %get3A_9 = arith.constant 0 : index
    %get3A_10 = vector.load %arg1[%get3A_7, %get3A_8, %get3A_9] : memref<2x1000x128xf32, #tpu.memory_space<vmem>>, vector<1x1000x128xf32>
    %get3A_11 = vector.shape_cast %get3A_10 : vector<1x1000x128xf32> to vector<1000x128xf32>
    %get3A_12 = arith.constant 1 : index
    %get3A_13 = arith.constant 0 : index
    %get3A_14 = arith.constant 0 : index
    %get3A_15 = vector.load %arg1[%get3A_12, %get3A_13, %get3A_14] : memref<2x1000x128xf32, #tpu.memory_space<vmem>>, vector<1x1000x128xf32>
    %get3A_16 = vector.shape_cast %get3A_15 : vector<1x1000x128xf32> to vector<1000x128xf32>
    %add3A_17 = arith.addf %get3A_11, %get3A_16 : vector<1000x128xf32>
    %get3A_18 = arith.constant 0 : index
    %get3A_19 = arith.constant 0 : index
    %get3A_20 = vector.load %arg2[%get3A_18, %get3A_19] : memref<1000x128xf32, #tpu.memory_space<vmem>>, vector<1000x128xf32>
    %add3A_21 = arith.addf %add3A_17, %get3A_20 : vector<1000x128xf32>
    %broadcast_in_dim3A = vector.shape_cast %rsqrt3A : vector<1000xf32> to vector<1000x1xf32>
    %mul3A = vector.broadcast %broadcast_in_dim3A : vector<1000x1xf32> to vector<1000x128xf32>
    %mul3A_22 = arith.mulf %add3A_21, %mul3A : vector<1000x128xf32>
    %get3A_23 = arith.constant 0 : index
    %get3A_24 = arith.constant 0 : index
    %get3A_25 = vector.load %arg4[%get3A_23, %get3A_24] : memref<1x128xf32, #tpu.memory_space<vmem>>, vector<1x128xf32>
    %add3A_26 = vector.broadcast %get3A_25 : vector<1x128xf32> to vector<1000x128xf32>
    %add3A_27 = arith.addf %mul3A_22, %add3A_26 : vector<1000x128xf32>
    %max3A = arith.constant 0.000000e+00 : f32
    %max3A_28 = vector.broadcast %max3A : f32 to vector<1000x128xf32>
    %max3A_29 = arith.maximumf %add3A_27, %max3A_28 : vector<1000x128xf32>
    %get3A_30 = arith.constant 0 : index
    %get3A_31 = arith.constant 0 : index
    %get3A_32 = vector.load %arg5[%get3A_30, %get3A_31] : memref<128x128xf32, #tpu.memory_space<vmem>>, vector<128x128xf32>
    %dot_general3A = arith.constant dense<0.000000e+00> : vector<1000x128xf32>
    %dot_general3A_33 = tpu.matmul %max3A_29, %get3A_32, %dot_general3A {dimension_numbers = #tpu.dot_dimension_numbers<[1], [0], [0], [1], [0, 0, 1, 1], [], []>, transpose_lhs_hint = false} : vector<1000x128xf32>, vector<128x128xf32>, vector<1000x128xf32> -> vector<1000x128xf32>
    %broadcast_in_dim3A_34 = vector.shape_cast %rsqrt3A : vector<1000xf32> to vector<1000x1xf32>
    %mul3A_35 = vector.broadcast %broadcast_in_dim3A_34 : vector<1000x1xf32> to vector<1000x128xf32>
    %mul3A_36 = arith.mulf %dot_general3A_33, %mul3A_35 : vector<1000x128xf32>
    %swap3A = arith.constant 0 : index
    %swap3A_37 = arith.constant 0 : index
    %swap3A_38 = vector.load %arg6[%swap3A, %swap3A_37] : memref<1000x128xf32, #tpu.memory_space<vmem>>, vector<1000x128xf32>
    tpu.vector_store %arg6[%swap3A, %swap3A_37], %mul3A_36 {strides = array<i32>} : memref<1000x128xf32, #tpu.memory_space<vmem>>, vector<1000x128xf32>,
    return
  }
  func.func @transform_0(%arg0: i32) -> (i32, i32, i32) {
    %c0_i32 = arith.constant 0 : i32
    %c0_i32_0 = arith.constant 0 : i32
    %c0_i32_1 = arith.constant 0 : i32
    return %c0_i32, %arg0, %c0_i32_0 : i32, i32, i32
  }
  func.func @transform_1(%arg0: i32) -> (i32, i32) {
    %c0_i32 = arith.constant 0 : i32
    %c0_i32_0 = arith.constant 0 : i32
    return %arg0, %c0_i32 : i32, i32
  }
  func.func @transform_2(%arg0: i32) -> (i32, i32) {
    %c0_i32 = arith.constant 0 : i32
    %c0_i32_0 = arith.constant 0 : i32
    return %arg0, %c0_i32 : i32, i32
  }
  func.func @transform_3(%arg0: i32) -> (i32, i32) {
    %c0_i32 = arith.constant 0 : i32
    %c0_i32_0 = arith.constant 0 : i32
    %c0_i32_1 = arith.constant 0 : i32
    return %c0_i32, %c0_i32_0 : i32, i32
  }
  func.func @transform_4(%arg0: i32) -> (i32, i32) {
    %c0_i32 = arith.constant 0 : i32
    %c0_i32_0 = arith.constant 0 : i32
    %c0_i32_1 = arith.constant 0 : i32
    return %c0_i32, %c0_i32_0 : i32, i32
  }
  func.func @transform_5(%arg0: i32) -> (i32, i32) {
    %c0_i32 = arith.constant 0 : i32
    %c0_i32_0 = arith.constant 0 : i32
    return %arg0, %c0_i32 : i32, i32
  }
}

module attributes {stable_mosaic.version = 14 : i64} {
  func.func @_tc3_body(%arg0: i32, %arg1: memref<2x1000x128xf32, #tpu.memory_space<vmem>>, %arg2: memref<1000x128xf32, #tpu.memory_space<vmem>>, %arg3: memref<1000x2xf32, #tpu.memory_space<vmem>>, %arg4: memref<1x128xf32, #tpu.memory_space<vmem>>, %arg5: memref<1000x128xf32, #tpu.memory_space<vmem>>) attributes {dimension_semantics = [#tpu.dimension_semantics<arbitrary>], iteration_bounds = array<i64: 10>, scalar_prefetch = 0 : i64, scratch_operands = 0 : i64, tpu.core_type = #tpu.core_type<tc>, window_params = [{transform_indices = @transform_0, window_bounds = array<i64: 2, 1000, 128>}, {transform_indices = @transform_1, window_bounds = array<i64: 1000, 128>}, {transform_indices = @transform_2, window_bounds = array<i64: 1000, 2>}, {pipeline_mode = #tpu.pipeline_mode<synchronous>, transform_indices = @transform_3, window_bounds = array<i64: 1, 128>}, {transform_indices = @transform_4, window_bounds = array<i64: 1000, 128>}]} {
    %get3A = arith.constant 0 : index
    %get3A_0 = arith.constant 0 : index
    %get3A_1 = vector.load %arg3[%get3A, %get3A_0] : memref<1000x2xf32, #tpu.memory_space<vmem>>, vector<1000x2xf32>
    %slice3A = vector.extract_strided_slice %get3A_1 {offsets = [0, 0], sizes = [1000, 1], strides = [1, 1]} : vector<1000x2xf32> to vector<1000x1xf32>
    %squeeze3A = vector.shape_cast %slice3A : vector<1000x1xf32> to vector<1000xf32>
    %slice3A_2 = vector.extract_strided_slice %get3A_1 {offsets = [0, 1], sizes = [1000, 1], strides = [1, 1]} : vector<1000x2xf32> to vector<1000x1xf32>
    %squeeze3A_3 = vector.shape_cast %slice3A_2 : vector<1000x1xf32> to vector<1000xf32>
    %add3A = arith.addf %squeeze3A, %squeeze3A_3 : vector<1000xf32>
    %add3A_4 = arith.constant 1.000000e+00 : f32
    %add3A_5 = vector.broadcast %add3A_4 : f32 to vector<1000xf32>
    %add3A_6 = arith.addf %add3A, %add3A_5 : vector<1000xf32>
    %rsqrt3A = math.rsqrt %add3A_6 : vector<1000xf32>
    %get3A_7 = arith.constant 0 : index
    %get3A_8 = arith.constant 0 : index
    %get3A_9 = arith.constant 0 : index
    %get3A_10 = vector.load %arg1[%get3A_7, %get3A_8, %get3A_9] : memref<2x1000x128xf32, #tpu.memory_space<vmem>>, vector<1x1000x128xf32>
    %get3A_11 = vector.shape_cast %get3A_10 : vector<1x1000x128xf32> to vector<1000x128xf32>
    %get3A_12 = arith.constant 1 : index
    %get3A_13 = arith.constant 0 : index
    %get3A_14 = arith.constant 0 : index
    %get3A_15 = vector.load %arg1[%get3A_12, %get3A_13, %get3A_14] : memref<2x1000x128xf32, #tpu.memory_space<vmem>>, vector<1x1000x128xf32>
    %get3A_16 = vector.shape_cast %get3A_15 : vector<1x1000x128xf32> to vector<1000x128xf32>
    %add3A_17 = arith.addf %get3A_11, %get3A_16 : vector<1000x128xf32>
    %get3A_18 = arith.constant 0 : index
    %get3A_19 = arith.constant 0 : index
    %get3A_20 = vector.load %arg2[%get3A_18, %get3A_19] : memref<1000x128xf32, #tpu.memory_space<vmem>>, vector<1000x128xf32>
    %add3A_21 = arith.addf %add3A_17, %get3A_20 : vector<1000x128xf32>
    %broadcast_in_dim3A = vector.shape_cast %rsqrt3A : vector<1000xf32> to vector<1000x1xf32>
    %mul3A = vector.broadcast %broadcast_in_dim3A : vector<1000x1xf32> to vector<1000x128xf32>
    %mul3A_22 = arith.mulf %add3A_21, %mul3A : vector<1000x128xf32>
    %get3A_23 = arith.constant 0 : index
    %get3A_24 = arith.constant 0 : index
    %get3A_25 = vector.load %arg4[%get3A_23, %get3A_24] : memref<1x128xf32, #tpu.memory_space<vmem>>, vector<1x128xf32>
    %add3A_26 = vector.broadcast %get3A_25 : vector<1x128xf32> to vector<1000x128xf32>
    %add3A_27 = arith.addf %mul3A_22, %add3A_26 : vector<1000x128xf32>
    %swap3A = arith.constant 0 : index
    %swap3A_28 = arith.constant 0 : index
    %swap3A_29 = vector.load %arg5[%swap3A, %swap3A_28] : memref<1000x128xf32, #tpu.memory_space<vmem>>, vector<1000x128xf32>
    tpu.vector_store %arg5[%swap3A, %swap3A_28], %add3A_27 {strides = array<i32>} : memref<1000x128xf32, #tpu.memory_space<vmem>>, vector<1000x128xf32>,
    return
  }
  func.func @transform_0(%arg0: i32) -> (i32, i32, i32) {
    %c0_i32 = arith.constant 0 : i32
    %c0_i32_0 = arith.constant 0 : i32
    %c0_i32_1 = arith.constant 0 : i32
    return %c0_i32, %arg0, %c0_i32_0 : i32, i32, i32
  }
  func.func @transform_1(%arg0: i32) -> (i32, i32) {
    %c0_i32 = arith.constant 0 : i32
    %c0_i32_0 = arith.constant 0 : i32
    return %arg0, %c0_i32 : i32, i32
  }
  func.func @transform_2(%arg0: i32) -> (i32, i32) {
    %c0_i32 = arith.constant 0 : i32
    %c0_i32_0 = arith.constant 0 : i32
    return %arg0, %c0_i32 : i32, i32
  }
  func.func @transform_3(%arg0: i32) -> (i32, i32) {
    %c0_i32 = arith.constant 0 : i32
    %c0_i32_0 = arith.constant 0 : i32
    %c0_i32_1 = arith.constant 0 : i32
    return %c0_i32, %c0_i32_0 : i32, i32
  }
  func.func @transform_4(%arg0: i32) -> (i32, i32) {
    %c0_i32 = arith.constant 0 : i32
    %c0_i32_0 = arith.constant 0 : i32
    return %arg0, %c0_i32 : i32, i32
  }
}

</mosaic_0001>

<sc_bundles>
// kernel: kernel.11.cloned.1.call-start
scs
__scs_entry_jumppad:
0x0: {  	(pc) =	sbr.rel $0x88, $3  }
0x1: {  	(tag) =	ssettag $0x0;
	lr =	simm.s32 $0x1  }
0x2: {  	[smem:$0x3F99] =	sst lr;
	_ =	strace $0xD0000000  }
0x3: {  	_ = 	snop  }
0x4: {  	_ = 	snop  }
0x5: {  	_ = 	snop  }
0x6: {  	_ = 	snop  }
0x7: {  	_ = 	snop  }
__scs_overlays_trampoline_lowered:
0x8: {  	[smem:$0x3FA8] =	sst s0  }
0x9: {  	[smem:$0x3FA9] =	sst s1  }
0xa: {  	[smem:$0x3FAA] =	sst s2  }
0xb: {  	[smem:$0x3FAB] =	sst s3  }
0xc: {  	[smem:$0x3FAC] =	sst s4  }
0xd: {  	[smem:$0x3FAD] =	sst s5  }
0xe: {  	[smem:$0x3FAE] =	sst s6  }
0xf: {  	[smem:$0x3FAF] =	sst s7  }
0x10: {  	[smem:$0x3FB0] =	sst s8  }
0x11: {  	[smem:$0x3FB1] =	sst s9;
	s0 =	simm.s32 @!p0 $0x0  }
0x12: {  	s1 =	sld [smem:$0x3F97];
	s0 =	simm.s32 @p0 $0x1  }
0x13: {  	[smem:$0x3FB2] =	sst s0;
	s0 =	simm.s32 @!p1 $0x0  }
0x14: {  	s2 =	sld [smem:$0x3F96];
	s0 =	simm.s32 @p1 $0x1  }
0x15: {  	[smem:$0x3FB3] =	sst s0;
	s0 =	simm.s32 @!p2 $0x0  }
0x16: {  	s3 =	sld [smem:$0x3FDB];
	s0 =	simm.s32 @p2 $0x1  }
0x17: {  	s4 =	simm.s32 $0x1BF5;
	[smem:$0x3FB5] =	sst s0  }
0x18: {  	s0 =	sld [smem:$0x3F98];
	_ =	swait.ge [sflag:s4], $0x0  }
0x19: {  	s7 =	sld [smem:$0x3F99]  }
0x1a: {  	s8 =	sadd.s32 $0xFFFFE003, lr  }
0x1b: {  	s9 =	sadd.s32 $0xFFFFFEF7, lr;
	s5 =	simm.s32 $0xFFFFFFFF;
	p2 =	slt.u32 s8, $0xFFFFF086  }
0x1c: {  	p1 =	slt.u32 s9, $0xF7A;
	s5 =	simm.s32 @!p2 $0x0  }
0x1d: {  	s5 =	simm.s32 @p1 $0x1;
	p0 =	seq.s32 s7, s2  }
0x1e: {  	s7 =	smul.u32 @!p0 $0xF7A, s2;
	p2 =	seq.s32 @!p0 s5, $0x0  }
0x1f: {  	s9 =	smul.u32 $0xF7A, s1;
	s8 =	simm.s32 @!p0 $0x1BF5;
	p2 =	por !p2, p0  }
0x20: {  	[sflag:s8] =	ssyncset.s32 @!p0 $0xFFFFF086;
	s6 =	sadd.s32 @!p0 s3, s7;
	s7 =	simm.s32 @!p0 $0x108  }
0x21: {  	s3 =	sadd.s32 s3, s9;
	s6 =	sadd.s32 @!p0 $0x88, s6;
	s7 =	simm.s32 @p2 $0x1082  }
0x22: {  	[simem:s7], [sflag:s8] =	dma.local @!p0 [hbm:s6], $0xF7A  }
0x23: {  	s9 =	sor.u32 $0xD0000000, s2;
	s6 =	simm.s32 $0x108;
	_ =	swait.ge @!p0 [sflag:s8], $0x0  }
0x24: {  	s3 =	sadd.s32 $0x88, s3;
	s6 =	simm.s32 @!p1 $0x1082;
	[sflag:s4] =	ssyncset.s32 $0xFFFFF086  }
0x25: {  	[simem:s6], [sflag:s4] =	dma.local [hbm:s3], $0xF7A  }
0x26: {  	[smem:$0x3F99] =	sst s1;
	(tag) =	ssettag s2;
	_ =	strace s9  }
0x27: {  	s1 =	sld [smem:$0x3FA9]  }
0x28: {  	s2 =	sld [smem:$0x3FAA]  }
0x29: {  	s4 =	sld [smem:$0x3FAC]  }
0x2a: {  	p0 =	seq.s32 s5, $0x0;
	s5 =	sld [smem:$0x3FAD]  }
0x2b: {  	s6 =	sld [smem:$0x3FAE]  }
0x2c: {  	s7 =	sld [smem:$0x3FAF]  }
0x2d: {  	s3 =	simm.s32 $0x108;
	s8 =	sld [smem:$0x3FB0]  }
0x2e: {  	s3 =	simm.s32 @!p0 $0x1082;
	s9 =	sld [smem:$0x3FB1]  }
0x2f: {  	lr =	sadd.s32 s0, s3;
	s0 =	sld [smem:$0x3FA8]  }
0x30: {  	s3 =	sld [smem:$0x3FAB]  }
0x31: {  	[smem:$0x3FB4] =	sst s10  }
0x32: {  	s10 =	sld [smem:$0x3FB2];
	_ =	sdelay $0x3  }
0x33: {  	p0 =	seq.s32 s10, $0x1;
	s10 =	sld [smem:$0x3FB4];
	_ =	sdelay $0x3  }
0x34: {  	[smem:$0x3FB4] =	sst s10  }
0x35: {  	s10 =	sld [smem:$0x3FB3];
	_ =	sdelay $0x3  }
0x36: {  	p1 =	seq.s32 s10, $0x1;
	s10 =	sld [smem:$0x3FB4];
	_ =	sdelay $0x3  }
0x37: {  	[smem:$0x3FB4] =	sst s10  }
0x38: {  	s10 =	sld [smem:$0x3FB5]  }
0x39: {  	_ = 	snop;
	(pc) =	sbr.ind lr, $3  }
0x3a: {  	_ = 	snop  }
0x3b: {  	_ = 	snop  }
0x3c: {  	p2 =	seq.s32 s10, $0x1;
	s10 =	sld [smem:$0x3FB4]  }
0x3d: {  	_ =	shalt  }
0x3e: {  	_ =	shalt  }
0x3f: {  	_ =	shalt  }
0x40: {  	_ =	shalt  }
0x41: {  	_ =	shalt  }
0x42: {  	_ =	shalt  }
0x43: {  	_ =	shalt  }
0x44: {  	_ =	shalt  }
0x45: {  	_ =	shalt  }
0x46: {  	_ =	shalt  }
0x47: {  	_ =	shalt  }
0x48: {  	_ =	shalt  }
0x49: {  	_ =	shalt  }
0x4a: {  	_ =	shalt  }
0x4b: {  	_ =	shalt  }
0x4c: {  	_ =	shalt  }
0x4d: {  	_ =	shalt  }
0x4e: {  	_ =	shalt  }
0x4f: {  	_ =	shalt  }
0x50: {  	_ =	shalt  }
0x51: {  	_ =	shalt  }
0x52: {  	_ =	shalt  }
0x53: {  	_ =	shalt  }
0x54: {  	_ =	shalt  }
0x55: {  	_ =	shalt  }
0x56: {  	_ =	shalt  }
0x57: {  	_ =	shalt  }
0x58: {  	_ =	shalt  }
0x59: {  	_ =	shalt  }
0x5a: {  	_ =	shalt  }
0x5b: {  	_ =	shalt  }
0x5c: {  	_ =	shalt  }
0x5d: {  	_ =	shalt  }
0x5e: {  	_ =	shalt  }
0x5f: {  	_ =	shalt  }
0x60: {  	_ =	shalt  }
0x61: {  	_ =	shalt  }
0x62: {  	_ =	shalt  }
0x63: {  	_ =	shalt  }
0x64: {  	_ =	shalt  }
0x65: {  	_ =	shalt  }
0x66: {  	_ =	shalt  }
0x67: {  	_ =	shalt  }
0x68: {  	_ =	shalt  }
0x69: {  	_ =	shalt  }
0x6a: {  	_ =	shalt  }
0x6b: {  	_ =	shalt  }
0x6c: {  	_ =	shalt  }
0x6d: {  	_ =	shalt  }
0x6e: {  	_ =	shalt  }
0x6f: {  	_ =	shalt  }
0x70: {  	_ =	shalt  }
0x71: {  	_ =	shalt  }
0x72: {  	_ =	shalt  }
0x73: {  	_ =	shalt  }
0x74: {  	_ =	shalt  }
0x75: {  	_ =	shalt  }
0x76: {  	_ =	shalt  }
0x77: {  	_ =	shalt  }
0x78: {  	_ =	shalt  }
0x79: {  	_ =	shalt  }
0x7a: {  	_ =	shalt  }
0x7b: {  	_ =	shalt  }
0x7c: {  	_ =	shalt  }
0x7d: {  	_ =	shalt  }
0x7e: {  	_ =	shalt  }
0x7f: {  	_ =	shalt  }
0x80: {  	_ =	shalt  }
0x81: {  	_ =	shalt  }
0x82: {  	_ =	shalt  }
0x83: {  	_ =	shalt  }
0x84: {  	_ =	shalt  }
0x85: {  	_ =	shalt  }
0x86: {  	_ =	shalt  }
0x87: {  	_ =	shalt  }
.Lfunc_end0:
.L_simem_size_0:
called_computation.1_lowered:
.L_overlay_start_0:
0x88: {  	s2 =	sld [smem:$0x3FD9]  }
0x89: {  	s3 =	sld [smem:$0x3FFE];
	_ =	sdelay $0x1  }
0x8a: {  	s1 =	srdreg.scid  }
0x8b: {  	s0 =	sand.u32 $0x1, s1  }
0x8c: {  	s14 =	sshll.u32 s0, $0xA;
	s2 =	sadd.s32 s3, s2  }
0x8d: {  	s2 =	sadd.s32 s2, s14  }
0x8e: {  	[smem:$0x3FC0] =	sst s2  }
0x8f: {  	_ = 	snop  }
0x90: {  	s2 =	sld [smem:$0x3FD0];
	_ =	sdelay $0x2  }
0x91: {  	s15 =	simm.s32 $0xA;
	s4 =	simm.s32 $0x10  }
0x92: {  	[smem:s4], [sflag:s15] =	dma.local [hbm:s2], $0x1  }
0x93: {  	_ =	swait.eq [sflag:s15], $0x1  }
0x94: {  	[sflag:s15] =	ssyncset.done $0x0  }
0x95: {  	s16 =	sld [smem:$0x10];
	[sflag:s15] =	ssyncadd.s32 $0xFFFFFFFF  }
0x96: {  	s17 =	sld [smem:$0x11];
	(tm) =	ssettm $0x1  }
0x97: {  	s18 =	sld [smem:$0x3FFB];
	_ =	sdelay $0x3  }
0x98: {  	_ =	strace s18  }
0x99: {  	s4 =	sld [smem:$0x3FFC];
	_ =	sdelay $0x3  }
0x9a: {  	_ =	strace s4  }
0x9b: {  	s4 =	sld [smem:$0x3FFD];
	_ =	sdelay $0x3  }
0x9c: {  	_ =	strace s4  }
0x9d: {  	_ =	strace $0x8FFFFFFF  }
0x9e: {  	s19 =	sld [smem:$0x3FDB];
	_ =	sdelay $0x1  }
0x9f: {  	s5 =	simm.s32 $_scs_section_size  }
0xa0: {  	s6 =	simm.s32 $_size__tile_overlayer_lowered;
	s7 =	simm.s32 $_tile_overlayer_lowered  }
0xa1: {  	s22 =	simm.s32 $0x1BFF;
	s21 =	sshll.u32 s7, $0x1;
	s4 =	sadd.s32 s5, s19  }
0xa2: {  	s8 =	simm.s32 $0x0;
	s20 =	sshll.u32 s6, $0x1;
	s6 =	sadd.s32 s21, s4  }
0xa3: {  	[timem:s8], [sflag:s22] =	dma.local [hbm:s6], s20  }
0xa4: {  	_ =	swait.ge [sflag:s22], s20  }
0xa5: {  	s5 =	ssub.s32 $0x0, s20;
	[sflag:s22] =	ssyncset.done $0x0  }
0xa6: {  	[sflag:s22] =	ssyncadd.s32 s5;
	_ =	sdelay $0x1  }
0xa7: {  	s23 =	simm.s32 $0x1B8B  }
0xa8: {  	_ =	swait.ge [sflag:s23], $0x1  }
0xa9: {  	[sflag:s23] =	ssyncset.done $0x0  }
0xaa: {  	s25 =	simm.s32 $0x1B8E;
	s24 =	sld [smem:$0x3FFE];
	[sflag:s23] =	ssyncadd.s32 $0xFFFFFFFF  }
0xab: {  	s26 =	simm.s32 $execute0_lowered;
	[smem:$0x3FD2] =	sst s25  }
0xac: {  	s6 =	sshll.u32 s26, $0x1;
	_ =	strace $0x80000049;
	[dreg:$0x1] =	wrdreg $0xFFFFFFFF  }
0xad: {  	s28 =	simm.s32 $_size_execute0_lowered;
	s4 =	sadd.s32 s4, s6;
	[dreg:$0x0] =	wrdreg $0x0  }
0xae: {  	s6 =	sshll.u32 s28, $0x1;
	[dreg:$0x2] =	wrdreg s4  }
0xaf: {  	[dreg:$0x3] =	wrdreg s6  }
0xb0: {  	[dreg:$0x4] =	wrdreg $0xC0  }
0xb1: {  	_ =	task [dreg:s8], $0x5FFFF  }
0xb2: {  	[dreg:$0x1] =	wrdreg $0xFFFFFFFF  }
0xb3: {  	[dreg:$0x0] =	wrdreg $0x60  }
0xb4: {  	[dreg:$0x2] =	wrdreg s24  }
0xb5: {  	[dreg:$0x3] =	wrdreg s16  }
0xb6: {  	[dreg:$0x4] =	wrdreg s17  }
0xb7: {  	[dreg:$0x5] =	wrdreg $0xB0000  }
0xb8: {  	[dreg:$0x6] =	wrdreg $0x9  }
0xb9: {  	_ =	task.clear_ibuf [dreg:s8], $0x7FFFF;
	_ =	strace $0x90000049  }
0xba: {  	s29 =	simm.s32 $0x9;
	_ =	strace $0x8000004B  }
0xbb: {  	_ =	swait.ge [sflag:s29], $0x1  }
0xbc: {  	[sflag:s29] =	ssyncadd.s32 $0xFFFFFFFF  }
0xbd: {  	_ =	strace $0x9000004B  }
0xbe: {  	_ =	sfence  }
0xbf: {  	s30 =	sld [smem:$0x0];
	_ =	sdelay $0x2  }
0xc0: {  	s31 =	sshll.u32 s1, $0xD;
	s1 =	sshrl.u32 s1, $0x2  }
0xc1: {  	s3 =	sand.u32 $0x4000, s31;
	s1 =	sadd.s32 s1, s30  }
0xc2: {  	s0 =	sor.u32 s3, s0;
	s1 =	sshll.u32 s1, $0x11  }
0xc3: {  	s0 =	sor.u32 s1, s0  }
0xc4: {  	s0 =	sadd.s32 $0x8F2B, s0  }
0xc5: {  	[sflag:s0] =	ssyncadd.remote.s32 $0x1  }
0xc6: {  	_ =	sfence.sel $0xFFFF  }
0xc7: {  	[dreg:$0x0] =	wrdreg $0xFFFFFFFF;
	(pc) =	sbr.abs _section_cstart, $3  }
0xc8: {  	[dreg:$0x1] =	wrdreg $0xFFFFFFFF  }
0xc9: {  	_ =	task.clear_ibuf [dreg:s8], $0x2FFFF;
	_ =	strace $0x9FFFFFFF  }
0xca: {  	(tm) =	ssettm $0x7FFFFFFF  }
0xcb: {  	_ =	shalt  }
tec
execute0_lowered:
.L_overlay_start_1:
0x0: {  	(tag) =	ssettag $0x1  }
0x1: {  	s6 =	rddreg [dreg:$0x0]  }
0x2: {  	s7 =	rddreg [dreg:$0x1]  }
0x3: {  	s8 =	rddreg [dreg:$0x2]  }
0x4: {  	s1 =	rddreg [dreg:$0x3]  }
0x5: {  	s0 =	rddreg [dreg:$0x4]  }
0x6: {  	s3 =	simm.s32 $0x0;
	s2 =	srdreg.scid;
	s15 =	simm.s32 $0x7000  }
0x7: {  	s16 =	simm.s32 $0x0;
	[smem:$0x7FF] =	sst s3;
	s9 =	sand.u32 $0x1, s2  }
0x8: {  	s2 =	stileid.u32;
	s4 =	sadd.s32 $0x2000, s6;
	s10 =	smul.u32 $0x140000, s9  }
0x9: {  	s5 =	sadd.s32 $0x29200, s6;
	_ =	strace $0x8000004A;
	s11 =	smul.u32 $0x14000, s2  }
0xa: {  	s12 =	sshll.u32 s2, $0x1;
	s29 =	ssub.s32 $0x2, s9;
	s14 =	smul.u32 $0x50000, s2  }
0xb: {  	p0 =	seq.s32 s9, $0x0;
	s31 =	sshll.u32 s2, $0x6;
	s12 =	sor.u32 s9, s12  }
0xc: {  	s13 =	sshrl.u32 s29, $0x1;
	s10 =	sadd.s32 s11, s10;
	s12 =	smul.u32 $0x700, s12  }
0xd: {  	s11 =	ssub.s32 s29, s13;
	s30 =	sshrl.u32 s14, $0x2;
	s10 =	sshrl.u32 s10, $0x3  }
0xe: {  	s14 =	simm.s32 $0x80;
	s13 =	sadd.s32 s30, s1;
	s10 =	sadd.s32 s10, s6  }
0xf: {  	s6 =	sadd.s32 s7, s12;
	s7 =	simm.s32 $0x69;
	s8 =	sadd.s32 s8, s12  }
0x10: {  	s12 =	sor.u32 $0x1C01, s31;
	s13 =	sshrl.u32 s13, $0x3;
	s7 =	simm.s32 @!p0 $0x35  }
0x11: {  	s9 =	sadd.s32 $0x2BA00, s10;
	s10 =	smax.u32 s11, $0x1;
	s11 =	simm.s32 $0x1  }
.LBB2_1:
0x12: {  	[tilespmem:s3], [sflag:$0x1] =	stream.linear.gather [hbm4b:s6+s3], $0x3480, $0x38;
	[tilespmem:$0x1F000] =	vst v63  }
0x13: {  	_ =	swait.ge [sflag:s11], $0x3480  }
0x14: {  	[sflag:s11] =	ssyncset.done $0x0  }
0x15: {  	s17 =	simm.s32 $0x3800;
	[sflag:s11] =	ssyncadd.s32 $0xFFFFCB80  }
0x16: {  	[tilespmem:s17], [sflag:$0x1] =	stream.linear.gather [hbm4b:s8+s3], $0x3480, $0x38;
	[tilespmem:$0x1F000] =	vst v63  }
0x17: {  	_ =	swait.ge [sflag:s11], $0x3480  }
0x18: {  	[sflag:s11] =	ssyncset.done $0x0  }
0x19: {  	[sflag:s11] =	ssyncadd.s32 $0xFFFFCB80  }
0x1a: {  	[spmem:s13], [sflag:s12] =	dma.local [hbm:s5], $0x2800  }
0x1b: {  	_ =	swait.ge [sflag:s11], $0x2800  }
0x1c: {  	[sflag:s11] =	ssyncset.done $0x0  }
0x1d: {  	[sflag:s11] =	ssyncadd.s32 $0xFFFFD800  }
0x1e: {  	[bflag:$0x0] =	sbarrier.arrive $0xFFFF  }
0x1f: {  	[tilespmem:s15], [sflag:$0x1] =	stream.indirect.gather [hbm4b:s4+s14], $0x80, s3, s14, $0xb8;
	[tilespmem:$0x1F000] =	vst v63  }
0x20: {  	p0 =	sne.s32 s7, $0x1;
	_ =	swait.ge [sflag:s11], $0x4000  }
.Ltmp0:
0x21: {  	[sflag:s11] =	ssyncset.done $0x0;
	(pc) =	sbr.rel @!p0 .LBB2_3-.Ltmp0, $4  }
0x22: {  	[sflag:s11] =	ssyncadd.s32 $0xFFFFC000  }
0x23: {  	[spmem:s1] =	stream.indirect.scatter.add.f32 [tilespmem:s15], [sflag:$0x1], $0x80, s17, s14, $0xb8;
	[tilespmem:$0x1F000] =	vst v63  }
0x24: {  	_ =	swait.ge [sflag:s11], $0x4000  }
0x25: {  	s18 =	sadd.s32 $0xFFFFFFFF, s7;
	s19 =	simm.s32 $0x0;
	[sflag:s11] =	ssyncset.done $0x0  }
.LBB2_2:
0x26: {  	[sflag:s11] =	ssyncadd.s32 $0xFFFFC000;
	s19 =	sadd.s32 $0x80, s19;
	s17 =	sadd.s32 $0x80, s17  }
0x27: {  	[tilespmem:s15], [sflag:$0x1] =	stream.indirect.gather [hbm4b:s4+s14], $0x80, s19, s14, $0xb8;
	[tilespmem:$0x1F000] =	vst v63  }
0x28: {  	p0 =	sne.s32 s18, $0x1;
	s18 =	sadd.s32 $0xFFFFFFFF, s18;
	_ =	swait.ge [sflag:s11], $0x4000  }
.Ltmp1:
0x29: {  	[sflag:s11] =	ssyncset.done $0x0;
	(pc) =	sbr.rel @p0 .LBB2_2-.Ltmp1, $4  }
0x2a: {  	[sflag:s11] =	ssyncadd.s32 $0xFFFFC000  }
0x2b: {  	[spmem:s1] =	stream.indirect.scatter.add.f32 [tilespmem:s15], [sflag:$0x1], $0x80, s17, s14, $0xb8;
	[tilespmem:$0x1F000] =	vst v63  }
0x2c: {  	_ =	swait.ge [sflag:s11], $0x4000  }
0x2d: {  	[sflag:s11] =	ssyncset.done $0x0  }
.LBB2_3:
0x2e: {  	s16 =	sadd.s32 $0x1, s16  }
0x2f: {  	[sflag:s11] =	ssyncadd.s32 $0xFFFFC000;
	p0 =	sne.s32 s16, s10  }
.Ltmp2:
0x30: {  	[bflag:$0x0] =	sbarrier.arrive $0xFFFF;
	(pc) =	sbr.rel @p0 .LBB2_1-.Ltmp2, $4  }
0x31: {  	[hbm:s9], [sflag:s12] =	dma.local [spmem:s13], $0x2800  }
0x32: {  	_ =	swait.ge [sflag:s11], $0x2800  }
0x33: {  	[sflag:s11] =	ssyncset.done $0x0  }
0x34: {  	[sflag:s11] =	ssyncadd.s32 $0xFFFFD800  }
0x35: {  	_ =	sfence.sel $0x180000  }
0x36: {  	[bflag:$0x0] =	sbarrier.arrive $0xFFFF  }
0x37: {  	p0 =	sne.s32 s2, $0x0;
	_ =	strace $0x9000004A  }
0x38: {  	s0 =	sadd.s32 @!p0 $0x100000, s0;
	[bflag:$0x2] =	sbarrier.arrive $0xFFFF  }
0x39: {  	[sflag:s0] =	ssyncadd.tile.s32 @!p0 $0x1;
	_ =	shalt  }
.Lfunc_end2:
_tile_overlayer_lowered:
.L_overlay_start_2:
0x3a: {  	(tag) =	ssettag $0x2  }
0x3b: {  	s0 =	rddreg [dreg:$0x0];
	s2 =	stileid.u32  }
0x3c: {  	s1 =	rddreg [dreg:$0x1];
	p0 =	sne.s32 s2, $0x0  }
0x3d: {  	s3 =	rddreg [dreg:$0x2];
	[bflag:$0x3] =	sbarrier.arrive $0xFFFF;
	s2 =	simm.s32 @!p0 $0x1C01  }
0x3e: {  	[timem:s3], [sflag:s2] =	dma.local @!p0 [hbm:s0], s1  }
0x3f: {  	s0 =	simm.s32 @!p0 $0x1  }
0x40: {  	_ =	swait.ge @!p0 [sflag:s0], s1  }
0x41: {  	s1 =	ssub.s32 @!p0 $0x0, s1;
	[sflag:s0] =	ssyncset.done @!p0 $0x0  }
0x42: {  	[sflag:s0] =	ssyncadd.s32 @!p0 s1  }
0x43: {  	[bflag:$0x3] =	sbarrier.arrive $0xFFFF  }
0x44: {  	_ =	shalt  }

// kernel: kernel.14.cloned.1.call-start
scs
__scs_entry_jumppad:
0x0: {  	(pc) =	sbr.rel $0x88, $3  }
0x1: {  	(tag) =	ssettag $0x0;
	lr =	simm.s32 $0x1  }
0x2: {  	[smem:$0x3F99] =	sst lr;
	_ =	strace $0xD0000000  }
0x3: {  	_ = 	snop  }
0x4: {  	_ = 	snop  }
0x5: {  	_ = 	snop  }
0x6: {  	_ = 	snop  }
0x7: {  	_ = 	snop  }
__scs_overlays_trampoline_lowered:
0x8: {  	[smem:$0x3FA8] =	sst s0  }
0x9: {  	[smem:$0x3FA9] =	sst s1  }
0xa: {  	[smem:$0x3FAA] =	sst s2  }
0xb: {  	[smem:$0x3FAB] =	sst s3  }
0xc: {  	[smem:$0x3FAC] =	sst s4  }
0xd: {  	[smem:$0x3FAD] =	sst s5  }
0xe: {  	[smem:$0x3FAE] =	sst s6  }
0xf: {  	[smem:$0x3FAF] =	sst s7  }
0x10: {  	[smem:$0x3FB0] =	sst s8  }
0x11: {  	[smem:$0x3FB1] =	sst s9;
	s0 =	simm.s32 @!p0 $0x0  }
0x12: {  	s1 =	sld [smem:$0x3F97];
	s0 =	simm.s32 @p0 $0x1  }
0x13: {  	[smem:$0x3FB2] =	sst s0;
	s0 =	simm.s32 @!p1 $0x0  }
0x14: {  	s2 =	sld [smem:$0x3F96];
	s0 =	simm.s32 @p1 $0x1  }
0x15: {  	[smem:$0x3FB3] =	sst s0;
	s0 =	simm.s32 @!p2 $0x0  }
0x16: {  	s3 =	sld [smem:$0x3FDB];
	s0 =	simm.s32 @p2 $0x1  }
0x17: {  	s4 =	simm.s32 $0x1BF5;
	[smem:$0x3FB5] =	sst s0  }
0x18: {  	s0 =	sld [smem:$0x3F98];
	_ =	swait.ge [sflag:s4], $0x0  }
0x19: {  	s7 =	sld [smem:$0x3F99]  }
0x1a: {  	s8 =	sadd.s32 $0xFFFFE003, lr  }
0x1b: {  	s9 =	sadd.s32 $0xFFFFFEF7, lr;
	s5 =	simm.s32 $0xFFFFFFFF;
	p2 =	slt.u32 s8, $0xFFFFF086  }
0x1c: {  	p1 =	slt.u32 s9, $0xF7A;
	s5 =	simm.s32 @!p2 $0x0  }
0x1d: {  	s5 =	simm.s32 @p1 $0x1;
	p0 =	seq.s32 s7, s2  }
0x1e: {  	s7 =	smul.u32 @!p0 $0xF7A, s2;
	p2 =	seq.s32 @!p0 s5, $0x0  }
0x1f: {  	s9 =	smul.u32 $0xF7A, s1;
	s8 =	simm.s32 @!p0 $0x1BF5;
	p2 =	por !p2, p0  }
0x20: {  	[sflag:s8] =	ssyncset.s32 @!p0 $0xFFFFF086;
	s6 =	sadd.s32 @!p0 s3, s7;
	s7 =	simm.s32 @!p0 $0x108  }
0x21: {  	s3 =	sadd.s32 s3, s9;
	s6 =	sadd.s32 @!p0 $0x88, s6;
	s7 =	simm.s32 @p2 $0x1082  }
0x22: {  	[simem:s7], [sflag:s8] =	dma.local @!p0 [hbm:s6], $0xF7A  }
0x23: {  	s9 =	sor.u32 $0xD0000000, s2;
	s6 =	simm.s32 $0x108;
	_ =	swait.ge @!p0 [sflag:s8], $0x0  }
0x24: {  	s3 =	sadd.s32 $0x88, s3;
	s6 =	simm.s32 @!p1 $0x1082;
	[sflag:s4] =	ssyncset.s32 $0xFFFFF086  }
0x25: {  	[simem:s6], [sflag:s4] =	dma.local [hbm:s3], $0xF7A  }
0x26: {  	[smem:$0x3F99] =	sst s1;
	(tag) =	ssettag s2;
	_ =	strace s9  }
0x27: {  	s1 =	sld [smem:$0x3FA9]  }
0x28: {  	s2 =	sld [smem:$0x3FAA]  }
0x29: {  	s4 =	sld [smem:$0x3FAC]  }
0x2a: {  	p0 =	seq.s32 s5, $0x0;
	s5 =	sld [smem:$0x3FAD]  }
0x2b: {  	s6 =	sld [smem:$0x3FAE]  }
0x2c: {  	s7 =	sld [smem:$0x3FAF]  }
0x2d: {  	s3 =	simm.s32 $0x108;
	s8 =	sld [smem:$0x3FB0]  }
0x2e: {  	s3 =	simm.s32 @!p0 $0x1082;
	s9 =	sld [smem:$0x3FB1]  }
0x2f: {  	lr =	sadd.s32 s0, s3;
	s0 =	sld [smem:$0x3FA8]  }
0x30: {  	s3 =	sld [smem:$0x3FAB]  }
0x31: {  	[smem:$0x3FB4] =	sst s10  }
0x32: {  	s10 =	sld [smem:$0x3FB2];
	_ =	sdelay $0x3  }
0x33: {  	p0 =	seq.s32 s10, $0x1;
	s10 =	sld [smem:$0x3FB4];
	_ =	sdelay $0x3  }
0x34: {  	[smem:$0x3FB4] =	sst s10  }
0x35: {  	s10 =	sld [smem:$0x3FB3];
	_ =	sdelay $0x3  }
0x36: {  	p1 =	seq.s32 s10, $0x1;
	s10 =	sld [smem:$0x3FB4];
	_ =	sdelay $0x3  }
0x37: {  	[smem:$0x3FB4] =	sst s10  }
0x38: {  	s10 =	sld [smem:$0x3FB5]  }
0x39: {  	_ = 	snop;
	(pc) =	sbr.ind lr, $3  }
0x3a: {  	_ = 	snop  }
0x3b: {  	_ = 	snop  }
0x3c: {  	p2 =	seq.s32 s10, $0x1;
	s10 =	sld [smem:$0x3FB4]  }
0x3d: {  	_ =	shalt  }
0x3e: {  	_ =	shalt  }
0x3f: {  	_ =	shalt  }
0x40: {  	_ =	shalt  }
0x41: {  	_ =	shalt  }
0x42: {  	_ =	shalt  }
0x43: {  	_ =	shalt  }
0x44: {  	_ =	shalt  }
0x45: {  	_ =	shalt  }
0x46: {  	_ =	shalt  }
0x47: {  	_ =	shalt  }
0x48: {  	_ =	shalt  }
0x49: {  	_ =	shalt  }
0x4a: {  	_ =	shalt  }
0x4b: {  	_ =	shalt  }
0x4c: {  	_ =	shalt  }
0x4d: {  	_ =	shalt  }
0x4e: {  	_ =	shalt  }
0x4f: {  	_ =	shalt  }
0x50: {  	_ =	shalt  }
0x51: {  	_ =	shalt  }
0x52: {  	_ =	shalt  }
0x53: {  	_ =	shalt  }
0x54: {  	_ =	shalt  }
0x55: {  	_ =	shalt  }
0x56: {  	_ =	shalt  }
0x57: {  	_ =	shalt  }
0x58: {  	_ =	shalt  }
0x59: {  	_ =	shalt  }
0x5a: {  	_ =	shalt  }
0x5b: {  	_ =	shalt  }
0x5c: {  	_ =	shalt  }
0x5d: {  	_ =	shalt  }
0x5e: {  	_ =	shalt  }
0x5f: {  	_ =	shalt  }
0x60: {  	_ =	shalt  }
0x61: {  	_ =	shalt  }
0x62: {  	_ =	shalt  }
0x63: {  	_ =	shalt  }
0x64: {  	_ =	shalt  }
0x65: {  	_ =	shalt  }
0x66: {  	_ =	shalt  }
0x67: {  	_ =	shalt  }
0x68: {  	_ =	shalt  }
0x69: {  	_ =	shalt  }
0x6a: {  	_ =	shalt  }
0x6b: {  	_ =	shalt  }
0x6c: {  	_ =	shalt  }
0x6d: {  	_ =	shalt  }
0x6e: {  	_ =	shalt  }
0x6f: {  	_ =	shalt  }
0x70: {  	_ =	shalt  }
0x71: {  	_ =	shalt  }
0x72: {  	_ =	shalt  }
0x73: {  	_ =	shalt  }
0x74: {  	_ =	shalt  }
0x75: {  	_ =	shalt  }
0x76: {  	_ =	shalt  }
0x77: {  	_ =	shalt  }
0x78: {  	_ =	shalt  }
0x79: {  	_ =	shalt  }
0x7a: {  	_ =	shalt  }
0x7b: {  	_ =	shalt  }
0x7c: {  	_ =	shalt  }
0x7d: {  	_ =	shalt  }
0x7e: {  	_ =	shalt  }
0x7f: {  	_ =	shalt  }
0x80: {  	_ =	shalt  }
0x81: {  	_ =	shalt  }
0x82: {  	_ =	shalt  }
0x83: {  	_ =	shalt  }
0x84: {  	_ =	shalt  }
0x85: {  	_ =	shalt  }
0x86: {  	_ =	shalt  }
0x87: {  	_ =	shalt  }
.Lfunc_end0:
.L_simem_size_0:
called_computation.2_lowered:
.L_overlay_start_0:
0x88: {  	s2 =	sld [smem:$0x3FD9]  }
0x89: {  	s3 =	sld [smem:$0x3FFE];
	_ =	sdelay $0x1  }
0x8a: {  	s1 =	srdreg.scid  }
0x8b: {  	s0 =	sand.u32 $0x1, s1  }
0x8c: {  	s14 =	sshll.u32 s0, $0xA;
	s2 =	sadd.s32 s3, s2  }
0x8d: {  	s2 =	sadd.s32 s2, s14  }
0x8e: {  	[smem:$0x3FC0] =	sst s2  }
0x8f: {  	_ = 	snop  }
0x90: {  	s2 =	sld [smem:$0x3FD0];
	_ =	sdelay $0x2  }
0x91: {  	s15 =	simm.s32 $0xA;
	s4 =	simm.s32 $0x10  }
0x92: {  	[smem:s4], [sflag:s15] =	dma.local [hbm:s2], $0x1  }
0x93: {  	_ =	swait.eq [sflag:s15], $0x1  }
0x94: {  	[sflag:s15] =	ssyncset.done $0x0  }
0x95: {  	s16 =	sld [smem:$0x10];
	[sflag:s15] =	ssyncadd.s32 $0xFFFFFFFF  }
0x96: {  	s17 =	sld [smem:$0x11];
	(tm) =	ssettm $0x1  }
0x97: {  	s18 =	sld [smem:$0x3FFB];
	_ =	sdelay $0x3  }
0x98: {  	_ =	strace s18  }
0x99: {  	s4 =	sld [smem:$0x3FFC];
	_ =	sdelay $0x3  }
0x9a: {  	_ =	strace s4  }
0x9b: {  	s4 =	sld [smem:$0x3FFD];
	_ =	sdelay $0x3  }
0x9c: {  	_ =	strace s4  }
0x9d: {  	_ =	strace $0x8FFFFFFF  }
0x9e: {  	s19 =	sld [smem:$0x3FDB];
	_ =	sdelay $0x1  }
0x9f: {  	s5 =	simm.s32 $_scs_section_size  }
0xa0: {  	s6 =	simm.s32 $_size__tile_overlayer_lowered;
	s7 =	simm.s32 $_tile_overlayer_lowered  }
0xa1: {  	s22 =	simm.s32 $0x1BFF;
	s21 =	sshll.u32 s7, $0x1;
	s4 =	sadd.s32 s5, s19  }
0xa2: {  	s8 =	simm.s32 $0x0;
	s20 =	sshll.u32 s6, $0x1;
	s6 =	sadd.s32 s21, s4  }
0xa3: {  	[timem:s8], [sflag:s22] =	dma.local [hbm:s6], s20  }
0xa4: {  	_ =	swait.ge [sflag:s22], s20  }
0xa5: {  	s5 =	ssub.s32 $0x0, s20;
	[sflag:s22] =	ssyncset.done $0x0  }
0xa6: {  	[sflag:s22] =	ssyncadd.s32 s5;
	_ =	sdelay $0x1  }
0xa7: {  	s23 =	simm.s32 $0x1B8B  }
0xa8: {  	_ =	swait.ge [sflag:s23], $0x1  }
0xa9: {  	[sflag:s23] =	ssyncset.done $0x0  }
0xaa: {  	s25 =	simm.s32 $0x1B8E;
	s24 =	sld [smem:$0x3FFE];
	[sflag:s23] =	ssyncadd.s32 $0xFFFFFFFF  }
0xab: {  	s26 =	simm.s32 $execute0_lowered;
	[smem:$0x3FD2] =	sst s25  }
0xac: {  	s6 =	sshll.u32 s26, $0x1;
	_ =	strace $0x8000004C;
	[dreg:$0x1] =	wrdreg $0xFFFFFFFF  }
0xad: {  	s28 =	simm.s32 $_size_execute0_lowered;
	s4 =	sadd.s32 s4, s6;
	[dreg:$0x0] =	wrdreg $0x0  }
0xae: {  	s6 =	sshll.u32 s28, $0x1;
	[dreg:$0x2] =	wrdreg s4  }
0xaf: {  	[dreg:$0x3] =	wrdreg s6  }
0xb0: {  	[dreg:$0x4] =	wrdreg $0xC0  }
0xb1: {  	_ =	task [dreg:s8], $0x5FFFF  }
0xb2: {  	[dreg:$0x1] =	wrdreg $0xFFFFFFFF  }
0xb3: {  	[dreg:$0x0] =	wrdreg $0x60  }
0xb4: {  	[dreg:$0x2] =	wrdreg s24  }
0xb5: {  	[dreg:$0x3] =	wrdreg s16  }
0xb6: {  	[dreg:$0x4] =	wrdreg s17  }
0xb7: {  	[dreg:$0x5] =	wrdreg $0xB0000  }
0xb8: {  	[dreg:$0x6] =	wrdreg $0x9  }
0xb9: {  	_ =	task.clear_ibuf [dreg:s8], $0x7FFFF;
	_ =	strace $0x9000004C  }
0xba: {  	s29 =	simm.s32 $0x9;
	_ =	strace $0x8000004E  }
0xbb: {  	_ =	swait.ge [sflag:s29], $0x1  }
0xbc: {  	[sflag:s29] =	ssyncadd.s32 $0xFFFFFFFF  }
0xbd: {  	_ =	strace $0x9000004E  }
0xbe: {  	_ =	sfence  }
0xbf: {  	s30 =	sld [smem:$0x0];
	_ =	sdelay $0x2  }
0xc0: {  	s31 =	sshll.u32 s1, $0xD;
	s1 =	sshrl.u32 s1, $0x2  }
0xc1: {  	s3 =	sand.u32 $0x4000, s31;
	s1 =	sadd.s32 s1, s30  }
0xc2: {  	s0 =	sor.u32 s3, s0;
	s1 =	sshll.u32 s1, $0x11  }
0xc3: {  	s0 =	sor.u32 s1, s0  }
0xc4: {  	s0 =	sadd.s32 $0x8F2B, s0  }
0xc5: {  	[sflag:s0] =	ssyncadd.remote.s32 $0x1  }
0xc6: {  	_ =	sfence.sel $0xFFFF  }
0xc7: {  	[dreg:$0x0] =	wrdreg $0xFFFFFFFF;
	(pc) =	sbr.abs _section_cstart, $3  }
0xc8: {  	[dreg:$0x1] =	wrdreg $0xFFFFFFFF  }
0xc9: {  	_ =	task.clear_ibuf [dreg:s8], $0x2FFFF;
	_ =	strace $0x9FFFFFFF  }
0xca: {  	(tm) =	ssettm $0x7FFFFFFF  }
0xcb: {  	_ =	shalt  }
tec
execute0_lowered:
.L_overlay_start_1:
0x0: {  	(tag) =	ssettag $0x1  }
0x1: {  	s6 =	rddreg [dreg:$0x0]  }
0x2: {  	s7 =	rddreg [dreg:$0x1]  }
0x3: {  	s8 =	rddreg [dreg:$0x2]  }
0x4: {  	s1 =	rddreg [dreg:$0x3]  }
0x5: {  	s0 =	rddreg [dreg:$0x4]  }
0x6: {  	s3 =	simm.s32 $0x0;
	s2 =	srdreg.scid;
	s15 =	simm.s32 $0x7000  }
0x7: {  	s16 =	simm.s32 $0x0;
	[smem:$0x7FF] =	sst s3;
	s9 =	sand.u32 $0x1, s2  }
0x8: {  	s2 =	stileid.u32;
	s4 =	sadd.s32 $0x2000, s6;
	s10 =	smul.u32 $0x140000, s9  }
0x9: {  	s5 =	sadd.s32 $0x29200, s6;
	_ =	strace $0x8000004D;
	s11 =	smul.u32 $0x14000, s2  }
0xa: {  	s12 =	sshll.u32 s2, $0x1;
	s29 =	ssub.s32 $0x2, s9;
	s14 =	smul.u32 $0x50000, s2  }
0xb: {  	p0 =	seq.s32 s9, $0x0;
	s31 =	sshll.u32 s2, $0x6;
	s12 =	sor.u32 s9, s12  }
0xc: {  	s13 =	sshrl.u32 s29, $0x1;
	s10 =	sadd.s32 s11, s10;
	s12 =	smul.u32 $0x700, s12  }
0xd: {  	s11 =	ssub.s32 s29, s13;
	s30 =	sshrl.u32 s14, $0x2;
	s10 =	sshrl.u32 s10, $0x3  }
0xe: {  	s14 =	simm.s32 $0x80;
	s13 =	sadd.s32 s30, s1;
	s10 =	sadd.s32 s10, s6  }
0xf: {  	s6 =	sadd.s32 s7, s12;
	s7 =	simm.s32 $0x69;
	s8 =	sadd.s32 s8, s12  }
0x10: {  	s12 =	sor.u32 $0x1C01, s31;
	s13 =	sshrl.u32 s13, $0x3;
	s7 =	simm.s32 @!p0 $0x35  }
0x11: {  	s9 =	sadd.s32 $0x2BA00, s10;
	s10 =	smax.u32 s11, $0x1;
	s11 =	simm.s32 $0x1  }
.LBB2_1:
0x12: {  	[tilespmem:s3], [sflag:$0x1] =	stream.linear.gather [hbm4b:s6+s3], $0x3480, $0x38;
	[tilespmem:$0x1F000] =	vst v63  }
0x13: {  	_ =	swait.ge [sflag:s11], $0x3480  }
0x14: {  	[sflag:s11] =	ssyncset.done $0x0  }
0x15: {  	s17 =	simm.s32 $0x3800;
	[sflag:s11] =	ssyncadd.s32 $0xFFFFCB80  }
0x16: {  	[tilespmem:s17], [sflag:$0x1] =	stream.linear.gather [hbm4b:s8+s3], $0x3480, $0x38;
	[tilespmem:$0x1F000] =	vst v63  }
0x17: {  	_ =	swait.ge [sflag:s11], $0x3480  }
0x18: {  	[sflag:s11] =	ssyncset.done $0x0  }
0x19: {  	[sflag:s11] =	ssyncadd.s32 $0xFFFFCB80  }
0x1a: {  	[spmem:s13], [sflag:s12] =	dma.local [hbm:s5], $0x2800  }
0x1b: {  	_ =	swait.ge [sflag:s11], $0x2800  }
0x1c: {  	[sflag:s11] =	ssyncset.done $0x0  }
0x1d: {  	[sflag:s11] =	ssyncadd.s32 $0xFFFFD800  }
0x1e: {  	[bflag:$0x0] =	sbarrier.arrive $0xFFFF  }
0x1f: {  	[tilespmem:s15], [sflag:$0x1] =	stream.indirect.gather [hbm4b:s4+s14], $0x80, s3, s14, $0xb8;
	[tilespmem:$0x1F000] =	vst v63  }
0x20: {  	p0 =	sne.s32 s7, $0x1;
	_ =	swait.ge [sflag:s11], $0x4000  }
.Ltmp0:
0x21: {  	[sflag:s11] =	ssyncset.done $0x0;
	(pc) =	sbr.rel @!p0 .LBB2_3-.Ltmp0, $4  }
0x22: {  	[sflag:s11] =	ssyncadd.s32 $0xFFFFC000  }
0x23: {  	[spmem:s1] =	stream.indirect.scatter.add.f32 [tilespmem:s15], [sflag:$0x1], $0x80, s17, s14, $0xb8;
	[tilespmem:$0x1F000] =	vst v63  }
0x24: {  	_ =	swait.ge [sflag:s11], $0x4000  }
0x25: {  	s18 =	sadd.s32 $0xFFFFFFFF, s7;
	s19 =	simm.s32 $0x0;
	[sflag:s11] =	ssyncset.done $0x0  }
.LBB2_2:
0x26: {  	[sflag:s11] =	ssyncadd.s32 $0xFFFFC000;
	s19 =	sadd.s32 $0x80, s19;
	s17 =	sadd.s32 $0x80, s17  }
0x27: {  	[tilespmem:s15], [sflag:$0x1] =	stream.indirect.gather [hbm4b:s4+s14], $0x80, s19, s14, $0xb8;
	[tilespmem:$0x1F000] =	vst v63  }
0x28: {  	p0 =	sne.s32 s18, $0x1;
	s18 =	sadd.s32 $0xFFFFFFFF, s18;
	_ =	swait.ge [sflag:s11], $0x4000  }
.Ltmp1:
0x29: {  	[sflag:s11] =	ssyncset.done $0x0;
	(pc) =	sbr.rel @p0 .LBB2_2-.Ltmp1, $4  }
0x2a: {  	[sflag:s11] =	ssyncadd.s32 $0xFFFFC000  }
0x2b: {  	[spmem:s1] =	stream.indirect.scatter.add.f32 [tilespmem:s15], [sflag:$0x1], $0x80, s17, s14, $0xb8;
	[tilespmem:$0x1F000] =	vst v63  }
0x2c: {  	_ =	swait.ge [sflag:s11], $0x4000  }
0x2d: {  	[sflag:s11] =	ssyncset.done $0x0  }
.LBB2_3:
0x2e: {  	s16 =	sadd.s32 $0x1, s16  }
0x2f: {  	[sflag:s11] =	ssyncadd.s32 $0xFFFFC000;
	p0 =	sne.s32 s16, s10  }
.Ltmp2:
0x30: {  	[bflag:$0x0] =	sbarrier.arrive $0xFFFF;
	(pc) =	sbr.rel @p0 .LBB2_1-.Ltmp2, $4  }
0x31: {  	[hbm:s9], [sflag:s12] =	dma.local [spmem:s13], $0x2800  }
0x32: {  	_ =	swait.ge [sflag:s11], $0x2800  }
0x33: {  	[sflag:s11] =	ssyncset.done $0x0  }
0x34: {  	[sflag:s11] =	ssyncadd.s32 $0xFFFFD800  }
0x35: {  	_ =	sfence.sel $0x180000  }
0x36: {  	[bflag:$0x0] =	sbarrier.arrive $0xFFFF  }
0x37: {  	p0 =	sne.s32 s2, $0x0;
	_ =	strace $0x9000004D  }
0x38: {  	s0 =	sadd.s32 @!p0 $0x100000, s0;
	[bflag:$0x2] =	sbarrier.arrive $0xFFFF  }
0x39: {  	[sflag:s0] =	ssyncadd.tile.s32 @!p0 $0x1;
	_ =	shalt  }
.Lfunc_end2:
_tile_overlayer_lowered:
.L_overlay_start_2:
0x3a: {  	(tag) =	ssettag $0x2  }
0x3b: {  	s0 =	rddreg [dreg:$0x0];
	s2 =	stileid.u32  }
0x3c: {  	s1 =	rddreg [dreg:$0x1];
	p0 =	sne.s32 s2, $0x0  }
0x3d: {  	s3 =	rddreg [dreg:$0x2];
	[bflag:$0x3] =	sbarrier.arrive $0xFFFF;
	s2 =	simm.s32 @!p0 $0x1C01  }
0x3e: {  	[timem:s3], [sflag:s2] =	dma.local @!p0 [hbm:s0], s1  }
0x3f: {  	s0 =	simm.s32 @!p0 $0x1  }
0x40: {  	_ =	swait.ge @!p0 [sflag:s0], s1  }
0x41: {  	s1 =	ssub.s32 @!p0 $0x0, s1;
	[sflag:s0] =	ssyncset.done @!p0 $0x0  }
0x42: {  	[sflag:s0] =	ssyncadd.s32 @!p0 s1  }
0x43: {  	[bflag:$0x3] =	sbarrier.arrive $0xFFFF  }
0x44: {  	_ =	shalt  }

// kernel: kernel.8.cloned.1.call-start
scs
__scs_entry_jumppad:
0x0: {  	(pc) =	sbr.rel $0x88, $3  }
0x1: {  	(tag) =	ssettag $0x0;
	lr =	simm.s32 $0x1  }
0x2: {  	[smem:$0x3F99] =	sst lr;
	_ =	strace $0xD0000000  }
0x3: {  	_ = 	snop  }
0x4: {  	_ = 	snop  }
0x5: {  	_ = 	snop  }
0x6: {  	_ = 	snop  }
0x7: {  	_ = 	snop  }
__scs_overlays_trampoline_lowered:
0x8: {  	[smem:$0x3FA8] =	sst s0  }
0x9: {  	[smem:$0x3FA9] =	sst s1  }
0xa: {  	[smem:$0x3FAA] =	sst s2  }
0xb: {  	[smem:$0x3FAB] =	sst s3  }
0xc: {  	[smem:$0x3FAC] =	sst s4  }
0xd: {  	[smem:$0x3FAD] =	sst s5  }
0xe: {  	[smem:$0x3FAE] =	sst s6  }
0xf: {  	[smem:$0x3FAF] =	sst s7  }
0x10: {  	[smem:$0x3FB0] =	sst s8  }
0x11: {  	[smem:$0x3FB1] =	sst s9;
	s0 =	simm.s32 @!p0 $0x0  }
0x12: {  	s1 =	sld [smem:$0x3F97];
	s0 =	simm.s32 @p0 $0x1  }
0x13: {  	[smem:$0x3FB2] =	sst s0;
	s0 =	simm.s32 @!p1 $0x0  }
0x14: {  	s2 =	sld [smem:$0x3F96];
	s0 =	simm.s32 @p1 $0x1  }
0x15: {  	[smem:$0x3FB3] =	sst s0;
	s0 =	simm.s32 @!p2 $0x0  }
0x16: {  	s3 =	sld [smem:$0x3FDB];
	s0 =	simm.s32 @p2 $0x1  }
0x17: {  	s4 =	simm.s32 $0x1BF5;
	[smem:$0x3FB5] =	sst s0  }
0x18: {  	s0 =	sld [smem:$0x3F98];
	_ =	swait.ge [sflag:s4], $0x0  }
0x19: {  	s7 =	sld [smem:$0x3F99]  }
0x1a: {  	s8 =	sadd.s32 $0xFFFFE003, lr  }
0x1b: {  	s9 =	sadd.s32 $0xFFFFFEF7, lr;
	s5 =	simm.s32 $0xFFFFFFFF;
	p2 =	slt.u32 s8, $0xFFFFF086  }
0x1c: {  	p1 =	slt.u32 s9, $0xF7A;
	s5 =	simm.s32 @!p2 $0x0  }
0x1d: {  	s5 =	simm.s32 @p1 $0x1;
	p0 =	seq.s32 s7, s2  }
0x1e: {  	s7 =	smul.u32 @!p0 $0xF7A, s2;
	p2 =	seq.s32 @!p0 s5, $0x0  }
0x1f: {  	s9 =	smul.u32 $0xF7A, s1;
	s8 =	simm.s32 @!p0 $0x1BF5;
	p2 =	por !p2, p0  }
0x20: {  	[sflag:s8] =	ssyncset.s32 @!p0 $0xFFFFF086;
	s6 =	sadd.s32 @!p0 s3, s7;
	s7 =	simm.s32 @!p0 $0x108  }
0x21: {  	s3 =	sadd.s32 s3, s9;
	s6 =	sadd.s32 @!p0 $0x88, s6;
	s7 =	simm.s32 @p2 $0x1082  }
0x22: {  	[simem:s7], [sflag:s8] =	dma.local @!p0 [hbm:s6], $0xF7A  }
0x23: {  	s9 =	sor.u32 $0xD0000000, s2;
	s6 =	simm.s32 $0x108;
	_ =	swait.ge @!p0 [sflag:s8], $0x0  }
0x24: {  	s3 =	sadd.s32 $0x88, s3;
	s6 =	simm.s32 @!p1 $0x1082;
	[sflag:s4] =	ssyncset.s32 $0xFFFFF086  }
0x25: {  	[simem:s6], [sflag:s4] =	dma.local [hbm:s3], $0xF7A  }
0x26: {  	[smem:$0x3F99] =	sst s1;
	(tag) =	ssettag s2;
	_ =	strace s9  }
0x27: {  	s1 =	sld [smem:$0x3FA9]  }
0x28: {  	s2 =	sld [smem:$0x3FAA]  }
0x29: {  	s4 =	sld [smem:$0x3FAC]  }
0x2a: {  	p0 =	seq.s32 s5, $0x0;
	s5 =	sld [smem:$0x3FAD]  }
0x2b: {  	s6 =	sld [smem:$0x3FAE]  }
0x2c: {  	s7 =	sld [smem:$0x3FAF]  }
0x2d: {  	s3 =	simm.s32 $0x108;
	s8 =	sld [smem:$0x3FB0]  }
0x2e: {  	s3 =	simm.s32 @!p0 $0x1082;
	s9 =	sld [smem:$0x3FB1]  }
0x2f: {  	lr =	sadd.s32 s0, s3;
	s0 =	sld [smem:$0x3FA8]  }
0x30: {  	s3 =	sld [smem:$0x3FAB]  }
0x31: {  	[smem:$0x3FB4] =	sst s10  }
0x32: {  	s10 =	sld [smem:$0x3FB2];
	_ =	sdelay $0x3  }
0x33: {  	p0 =	seq.s32 s10, $0x1;
	s10 =	sld [smem:$0x3FB4];
	_ =	sdelay $0x3  }
0x34: {  	[smem:$0x3FB4] =	sst s10  }
0x35: {  	s10 =	sld [smem:$0x3FB3];
	_ =	sdelay $0x3  }
0x36: {  	p1 =	seq.s32 s10, $0x1;
	s10 =	sld [smem:$0x3FB4];
	_ =	sdelay $0x3  }
0x37: {  	[smem:$0x3FB4] =	sst s10  }
0x38: {  	s10 =	sld [smem:$0x3FB5]  }
0x39: {  	_ = 	snop;
	(pc) =	sbr.ind lr, $3  }
0x3a: {  	_ = 	snop  }
0x3b: {  	_ = 	snop  }
0x3c: {  	p2 =	seq.s32 s10, $0x1;
	s10 =	sld [smem:$0x3FB4]  }
0x3d: {  	_ =	shalt  }
0x3e: {  	_ =	shalt  }
0x3f: {  	_ =	shalt  }
0x40: {  	_ =	shalt  }
0x41: {  	_ =	shalt  }
0x42: {  	_ =	shalt  }
0x43: {  	_ =	shalt  }
0x44: {  	_ =	shalt  }
0x45: {  	_ =	shalt  }
0x46: {  	_ =	shalt  }
0x47: {  	_ =	shalt  }
0x48: {  	_ =	shalt  }
0x49: {  	_ =	shalt  }
0x4a: {  	_ =	shalt  }
0x4b: {  	_ =	shalt  }
0x4c: {  	_ =	shalt  }
0x4d: {  	_ =	shalt  }
0x4e: {  	_ =	shalt  }
0x4f: {  	_ =	shalt  }
0x50: {  	_ =	shalt  }
0x51: {  	_ =	shalt  }
0x52: {  	_ =	shalt  }
0x53: {  	_ =	shalt  }
0x54: {  	_ =	shalt  }
0x55: {  	_ =	shalt  }
0x56: {  	_ =	shalt  }
0x57: {  	_ =	shalt  }
0x58: {  	_ =	shalt  }
0x59: {  	_ =	shalt  }
0x5a: {  	_ =	shalt  }
0x5b: {  	_ =	shalt  }
0x5c: {  	_ =	shalt  }
0x5d: {  	_ =	shalt  }
0x5e: {  	_ =	shalt  }
0x5f: {  	_ =	shalt  }
0x60: {  	_ =	shalt  }
0x61: {  	_ =	shalt  }
0x62: {  	_ =	shalt  }
0x63: {  	_ =	shalt  }
0x64: {  	_ =	shalt  }
0x65: {  	_ =	shalt  }
0x66: {  	_ =	shalt  }
0x67: {  	_ =	shalt  }
0x68: {  	_ =	shalt  }
0x69: {  	_ =	shalt  }
0x6a: {  	_ =	shalt  }
0x6b: {  	_ =	shalt  }
0x6c: {  	_ =	shalt  }
0x6d: {  	_ =	shalt  }
0x6e: {  	_ =	shalt  }
0x6f: {  	_ =	shalt  }
0x70: {  	_ =	shalt  }
0x71: {  	_ =	shalt  }
0x72: {  	_ =	shalt  }
0x73: {  	_ =	shalt  }
0x74: {  	_ =	shalt  }
0x75: {  	_ =	shalt  }
0x76: {  	_ =	shalt  }
0x77: {  	_ =	shalt  }
0x78: {  	_ =	shalt  }
0x79: {  	_ =	shalt  }
0x7a: {  	_ =	shalt  }
0x7b: {  	_ =	shalt  }
0x7c: {  	_ =	shalt  }
0x7d: {  	_ =	shalt  }
0x7e: {  	_ =	shalt  }
0x7f: {  	_ =	shalt  }
0x80: {  	_ =	shalt  }
0x81: {  	_ =	shalt  }
0x82: {  	_ =	shalt  }
0x83: {  	_ =	shalt  }
0x84: {  	_ =	shalt  }
0x85: {  	_ =	shalt  }
0x86: {  	_ =	shalt  }
0x87: {  	_ =	shalt  }
.Lfunc_end0:
.L_simem_size_0:
called_computation_lowered:
.L_overlay_start_0:
0x88: {  	s2 =	sld [smem:$0x3FD9]  }
0x89: {  	s3 =	sld [smem:$0x3FFE];
	_ =	sdelay $0x1  }
0x8a: {  	s1 =	srdreg.scid  }
0x8b: {  	s0 =	sand.u32 $0x1, s1  }
0x8c: {  	s14 =	sshll.u32 s0, $0xA;
	s2 =	sadd.s32 s3, s2  }
0x8d: {  	s2 =	sadd.s32 s2, s14  }
0x8e: {  	[smem:$0x3FC0] =	sst s2  }
0x8f: {  	_ = 	snop  }
0x90: {  	s2 =	sld [smem:$0x3FD0];
	_ =	sdelay $0x2  }
0x91: {  	s15 =	simm.s32 $0xA;
	s4 =	simm.s32 $0x10  }
0x92: {  	[smem:s4], [sflag:s15] =	dma.local [hbm:s2], $0x1  }
0x93: {  	_ =	swait.eq [sflag:s15], $0x1  }
0x94: {  	[sflag:s15] =	ssyncset.done $0x0  }
0x95: {  	[sflag:s15] =	ssyncadd.s32 $0xFFFFFFFF  }
0x96: {  	s16 =	sld [smem:$0x11];
	(tm) =	ssettm $0x1  }
0x97: {  	s17 =	sld [smem:$0x3FFB];
	_ =	sdelay $0x3  }
0x98: {  	_ =	strace s17  }
0x99: {  	s3 =	sld [smem:$0x3FFC];
	_ =	sdelay $0x3  }
0x9a: {  	_ =	strace s3  }
0x9b: {  	s3 =	sld [smem:$0x3FFD];
	_ =	sdelay $0x3  }
0x9c: {  	_ =	strace s3  }
0x9d: {  	_ =	strace $0x8FFFFFFF  }
0x9e: {  	s18 =	sld [smem:$0x3FDB];
	_ =	sdelay $0x1  }
0x9f: {  	s19 =	simm.s32 $_scs_section_size  }
0xa0: {  	s5 =	simm.s32 $_size__tile_overlayer_lowered;
	s6 =	simm.s32 $_tile_overlayer_lowered  }
0xa1: {  	s22 =	simm.s32 $0x1BFF;
	s21 =	sshll.u32 s6, $0x1;
	s3 =	sadd.s32 s19, s18  }
0xa2: {  	s7 =	simm.s32 $0x0;
	s20 =	sshll.u32 s5, $0x1;
	s5 =	sadd.s32 s21, s3  }
0xa3: {  	[timem:s7], [sflag:s22] =	dma.local [hbm:s5], s20  }
0xa4: {  	_ =	swait.ge [sflag:s22], s20  }
0xa5: {  	s4 =	ssub.s32 $0x0, s20;
	[sflag:s22] =	ssyncset.done $0x0  }
0xa6: {  	[sflag:s22] =	ssyncadd.s32 s4;
	_ =	sdelay $0x1  }
0xa7: {  	s23 =	simm.s32 $0x1B8B  }
0xa8: {  	_ =	swait.ge [sflag:s23], $0x1  }
0xa9: {  	[sflag:s23] =	ssyncset.done $0x0  }
0xaa: {  	s25 =	simm.s32 $0x1B8E;
	s24 =	sld [smem:$0x3FFE];
	[sflag:s23] =	ssyncadd.s32 $0xFFFFFFFF  }
0xab: {  	s26 =	simm.s32 $execute0_lowered;
	[smem:$0x3FD2] =	sst s25  }
0xac: {  	s5 =	sshll.u32 s26, $0x1;
	_ =	strace $0x80000046;
	[dreg:$0x1] =	wrdreg $0xFFFFFFFF  }
0xad: {  	s28 =	simm.s32 $_size_execute0_lowered;
	s3 =	sadd.s32 s3, s5;
	[dreg:$0x0] =	wrdreg $0x0  }
0xae: {  	s5 =	sshll.u32 s28, $0x1;
	[dreg:$0x2] =	wrdreg s3  }
0xaf: {  	[dreg:$0x3] =	wrdreg s5  }
0xb0: {  	[dreg:$0x4] =	wrdreg $0xC0  }
0xb1: {  	_ =	task [dreg:s7], $0x5FFFF  }
0xb2: {  	[dreg:$0x1] =	wrdreg $0xFFFFFFFF  }
0xb3: {  	[dreg:$0x0] =	wrdreg $0x60  }
0xb4: {  	[dreg:$0x2] =	wrdreg s16  }
0xb5: {  	[dreg:$0x3] =	wrdreg s24  }
0xb6: {  	[dreg:$0x4] =	wrdreg $0x38800  }
0xb7: {  	[dreg:$0x5] =	wrdreg $0x9  }
0xb8: {  	_ =	task.clear_ibuf [dreg:s7], $0x6FFFF;
	_ =	strace $0x90000046  }
0xb9: {  	s29 =	simm.s32 $0x9;
	_ =	strace $0x80000048  }
0xba: {  	_ =	swait.ge [sflag:s29], $0x1  }
0xbb: {  	[sflag:s29] =	ssyncadd.s32 $0xFFFFFFFF  }
0xbc: {  	_ =	strace $0x90000048  }
0xbd: {  	_ =	sfence  }
0xbe: {  	s30 =	sld [smem:$0x0];
	_ =	sdelay $0x2  }
0xbf: {  	s31 =	sshll.u32 s1, $0xD;
	s1 =	sshrl.u32 s1, $0x2  }
0xc0: {  	s3 =	sand.u32 $0x4000, s31;
	s1 =	sadd.s32 s1, s30  }
0xc1: {  	s0 =	sor.u32 s3, s0;
	s1 =	sshll.u32 s1, $0x11  }
0xc2: {  	s0 =	sor.u32 s1, s0  }
0xc3: {  	s0 =	sadd.s32 $0x8F2B, s0  }
0xc4: {  	[sflag:s0] =	ssyncadd.remote.s32 $0x1  }
0xc5: {  	_ =	sfence.sel $0xFFFF  }
0xc6: {  	[dreg:$0x0] =	wrdreg $0xFFFFFFFF;
	(pc) =	sbr.abs _section_cstart, $3  }
0xc7: {  	[dreg:$0x1] =	wrdreg $0xFFFFFFFF  }
0xc8: {  	_ =	task.clear_ibuf [dreg:s7], $0x2FFFF;
	_ =	strace $0x9FFFFFFF  }
0xc9: {  	(tm) =	ssettm $0x7FFFFFFF  }
tec
execute0_lowered:
.L_overlay_start_1:
0x0: {  	(tag) =	ssettag $0x1  }
0x1: {  	s5 =	rddreg [dreg:$0x0]  }
0x2: {  	s6 =	rddreg [dreg:$0x1]  }
0x3: {  	s2 =	rddreg [dreg:$0x2]  }
0x4: {  	s0 =	rddreg [dreg:$0x3]  }
0x5: {  	s3 =	simm.s32 $0x0;
	s4 =	srdreg.scid;
	s1 =	stileid.u32  }
0x6: {  	s13 =	simm.s32 $0x3800;
	s14 =	simm.s32 $0x20;
	s15 =	simm.s32 $0x10  }
0x7: {  	s16 =	simm.s32 $0x0;
	s7 =	sand.u32 $0x1, s4;
	s29 =	smul.u32 $0x500, s1  }
0x8: {  	s8 =	sshll.u32 s1, $0x1;
	[smem:$0x7FF] =	sst s3;
	s11 =	smul.u32 $0xA00, s1  }
0x9: {  	s12 =	sshll.u32 s1, $0x6;
	s9 =	sshll.u32 s7, $0x7;
	s8 =	sor.u32 s7, s8  }
0xa: {  	_ =	strace $0x80000047;
	s10 =	ssub.s32 $0x2, s7;
	p0 =	seq.s32 s7, $0x0  }
0xb: {  	s4 =	sor.u32 s9, s29;
	s8 =	smul.u32 $0x700, s8;
	s30 =	sshrl.u32 s10, $0x1  }
0xc: {  	s31 =	sshrl.u32 s11, $0x2;
	s9 =	sshrl.u32 s4, $0x3;
	s4 =	sadd.s32 $0x2000, s6  }
0xd: {  	s10 =	ssub.s32 s10, s30;
	s11 =	sadd.s32 s31, s2;
	s9 =	sadd.s32 s9, s6  }
0xe: {  	s5 =	sadd.s32 s5, s8;
	s6 =	simm.s32 $0x69;
	s8 =	smax.u32 s10, $0x1  }
0xf: {  	s10 =	sor.u32 $0x1C01, s12;
	s11 =	sshrl.u32 s11, $0x3;
	s12 =	simm.s32 $0x80  }
0x10: {  	v0 =	vimm.f32 $1.000000000e+00;
	s6 =	simm.s32 @!p0 $0x35;
	s7 =	sadd.s32 $0x2200, s9;
	s9 =	simm.s32 $0x1  }
.LBB2_1:
0x11: {  	[tilespmem:s3], [sflag:$0x1] =	stream.linear.gather [hbm4b:s5+s3], $0x3480, $0x38;
	[tilespmem:$0x3B00] =	vst v63  }
0x12: {  	_ =	swait.ge [sflag:s9], $0x3480  }
0x13: {  	[sflag:s9] =	ssyncset.done $0x0  }
0x14: {  	[sflag:s9] =	ssyncadd.s32 $0xFFFFCB80  }
0x15: {  	[tilespmem:$0x3800] =	vst v0  }
0x16: {  	[tilespmem:$0x3810] =	vst v0  }
0x17: {  	[tilespmem:$0x3820] =	vst v0  }
0x18: {  	[tilespmem:$0x3830] =	vst v0  }
0x19: {  	[tilespmem:$0x3840] =	vst v0  }
0x1a: {  	[tilespmem:$0x3850] =	vst v0  }
0x1b: {  	[tilespmem:$0x3860] =	vst v0  }
0x1c: {  	[tilespmem:$0x3870] =	vst v0  }
0x1d: {  	[spmem:s11], [sflag:s10] =	dma.local [hbm:s4], $0x50  }
0x1e: {  	_ =	swait.ge [sflag:s9], $0x50  }
0x1f: {  	p0 =	sne.s32 s6, $0x1;
	[sflag:s9] =	ssyncset.done $0x0  }
.Ltmp0:
0x20: {  	[sflag:s9] =	ssyncadd.s32 $0xFFFFFFB0;
	(pc) =	sbr.rel @!p0 .LBB2_3-.Ltmp0, $4  }
0x21: {  	[bflag:$0x0] =	sbarrier.arrive $0xFFFF  }
0x22: {  	[spmem:s2] =	stream.indirect.scatter.add.f32 [tilespmem:s13], [sflag:$0x1], $0x1, s3, s12, $0xb8;
	[tilespmem:$0x3B00] =	vst v63  }
0x23: {  	_ =	swait.ge [sflag:s9], $0x80  }
0x24: {  	s17 =	sadd.s32 $0xFFFFFFFF, s6;
	s18 =	simm.s32 $0x0;
	[sflag:s9] =	ssyncset.done $0x0  }
.LBB2_2:
0x25: {  	p0 =	sne.s32 s17, $0x1;
	[sflag:s9] =	ssyncadd.s32 $0xFFFFFF80;
	s18 =	sadd.s32 $0x80, s18  }
.Ltmp1:
0x26: {  	s17 =	sadd.s32 $0xFFFFFFFF, s17;
	(pc) =	sbr.rel @p0 .LBB2_2-.Ltmp1, $4  }
0x27: {  	_ = 	snop  }
0x28: {  	[spmem:s2] =	stream.indirect.scatter.add.f32 [tilespmem:s13], [sflag:$0x1], $0x1, s18, s12, $0xb8;
	[tilespmem:$0x3B00] =	vst v63  }
0x29: {  	_ =	swait.ge [sflag:s9], $0x80  }
0x2a: {  	[sflag:s9] =	ssyncset.done $0x0  }
.LBB2_3:
0x2b: {  	s16 =	sadd.s32 $0x1, s16  }
0x2c: {  	[sflag:s9] =	ssyncadd.s32 $0xFFFFFF80;
	p0 =	sne.s32 s16, s8  }
.Ltmp2:
0x2d: {  	[bflag:$0x0] =	sbarrier.arrive $0xFFFF;
	(pc) =	sbr.rel @p0 .LBB2_1-.Ltmp2, $4  }
0x2e: {  	[hbm:s7@s14], [sflag:s10] =	dma.strided [spmem:s11@s15], $0x50, s9, $0x10   }
0x2f: {  	_ =	swait.ge [sflag:s9], $0x50  }
0x30: {  	[sflag:s9] =	ssyncset.done $0x0  }
0x31: {  	[sflag:s9] =	ssyncadd.s32 $0xFFFFFFB0  }
0x32: {  	_ =	sfence.sel $0x180000  }
0x33: {  	[bflag:$0x0] =	sbarrier.arrive $0xFFFF  }
0x34: {  	p0 =	sne.s32 s1, $0x0;
	_ =	strace $0x90000047  }
0x35: {  	s0 =	sadd.s32 @!p0 $0x100000, s0;
	[bflag:$0x2] =	sbarrier.arrive $0xFFFF  }
0x36: {  	[sflag:s0] =	ssyncadd.tile.s32 @!p0 $0x1;
	_ =	shalt  }
.Lfunc_end2:
_tile_overlayer_lowered:
.L_overlay_start_2:
0x37: {  	(tag) =	ssettag $0x2  }
0x38: {  	s0 =	rddreg [dreg:$0x0];
	s2 =	stileid.u32  }
0x39: {  	s1 =	rddreg [dreg:$0x1];
	p0 =	sne.s32 s2, $0x0  }
0x3a: {  	s3 =	rddreg [dreg:$0x2];
	[bflag:$0x3] =	sbarrier.arrive $0xFFFF;
	s2 =	simm.s32 @!p0 $0x1C01  }
0x3b: {  	[timem:s3], [sflag:s2] =	dma.local @!p0 [hbm:s0], s1  }
0x3c: {  	s0 =	simm.s32 @!p0 $0x1  }
0x3d: {  	_ =	swait.ge @!p0 [sflag:s0], s1  }
0x3e: {  	s1 =	ssub.s32 @!p0 $0x0, s1;
	[sflag:s0] =	ssyncset.done @!p0 $0x0  }
0x3f: {  	[sflag:s0] =	ssyncadd.s32 @!p0 s1  }
0x40: {  	[bflag:$0x3] =	sbarrier.arrive $0xFFFF  }
0x41: {  	_ =	shalt  }

</sc_bundles>
